<compile_context>
chip_gen: v7x
topology: tpu7x:2x2x1
jax: 0.10.2.dev20260603
libtpu: 0.0.44.dev20260713+nightly
codegen_flags: <defaults>
</compile_context>

<pallas_src>
import jax
import jax.numpy as jnp
from jax import lax
from jax.experimental import pallas as pl
from jax.experimental.pallas import tpu as pltpu, tpu_sc as plsc

HIDDEN = 1024
N_IDX = 4 * 8192

_info = plsc.get_sparse_core_info()
NC, NS = _info.num_cores, _info.num_subcores
NW = NC * NS
B_PER_W = N_IDX // NW
CHUNK = 8
NBUF = 8
N_CHUNKS = B_PER_W // CHUNK
FULL_ROUNDS = N_CHUNKS // NBUF - 1


def _gather_body(table_hbm, idx_hbm, out_hbm, idx_v, rows_v, *sems):
    gsem = sems[:NBUF]
    osem = sems[NBUF:]
    wid = lax.axis_index("s") * NC + lax.axis_index("c")
    base = wid * B_PER_W
    pltpu.sync_copy(idx_hbm.at[pl.ds(base, B_PER_W)], idx_v)

    def gather(g, b):
        return pltpu.make_async_copy(
            table_hbm.at[idx_v.at[pl.ds(g * CHUNK, CHUNK)]],
            rows_v.at[b], gsem[b])

    def put(g, b):
        return pltpu.make_async_copy(
            rows_v.at[b], out_hbm.at[pl.ds(base + g * CHUNK, CHUNK)], osem[b])

    for b in range(NBUF):
        gather(b, b).start()

    def round_body(r, _):
        for b in range(NBUF):
            g = r * NBUF + b
            gather(g, b).wait()
            put(g, b).start()
        for b in range(NBUF):
            g = r * NBUF + b
            put(g, b).wait()
            gather(g + NBUF, b).start()
        return _

    lax.fori_loop(0, FULL_ROUNDS, round_body, None)

    for g in range(FULL_ROUNDS * NBUF, N_CHUNKS):
        b = g % NBUF
        gather(g, b).wait()
        put(g, b).start()
        ng = g + NBUF
        if ng < N_CHUNKS:
            put(g, b).wait()
            gather(ng, b).start()
    for g in range(N_CHUNKS - NBUF, N_CHUNKS):
        put(g, g % NBUF).wait()


_mesh = plsc.VectorSubcoreMesh(core_axis_name="c", subcore_axis_name="s")

_gather = pl.kernel(
    _gather_body,
    mesh=_mesh,
    out_type=jax.ShapeDtypeStruct((N_IDX, HIDDEN), jnp.float32),
    scratch_types=[
        pltpu.VMEM((B_PER_W,), jnp.int32),
        pltpu.VMEM((NBUF, CHUNK, HIDDEN), jnp.float32),
    ] + [pltpu.SemaphoreType.DMA] * (2 * NBUF),
)


def kernel(pos_enc, position_ids):
    b, s = position_ids.shape
    idx = position_ids.reshape(-1).astype(jnp.int32)
    out = _gather(pos_enc, idx)
    return out.reshape(b, s, pos_enc.shape[1])

# --- scband reference (transcript-rebuilt; emitter-appended) ---
"""Pipeline reference for scband-fixed-positional-encoding-6133213299419 (READ-ONLY COPY).

The authoritative reference and input builder live on the scoring server;
editing this copy changes nothing except your own understanding.
"""

import math
import jax, jax.numpy as jnp
import numpy as np

HIDDEN_SIZE = 1024
MAX_SEQ_LEN = 8192
BATCH = 4
SEQ_LEN = 8192


def build_pos_enc(hidden_size, max_sequence_length):
    pos_enc = jnp.zeros((max_sequence_length, hidden_size), dtype=jnp.float32)
    position = jnp.arange(0.0, max_sequence_length, dtype=jnp.float32)[:, None]
    coef = -math.log(10000.0) / hidden_size
    div_term = jnp.exp(coef * jnp.arange(0.0, hidden_size, 2, dtype=jnp.float32))
    pos_enc = pos_enc.at[:, 0::2].set(jnp.sin(position * div_term))
    pos_enc = pos_enc.at[:, 1::2].set(jnp.cos(position * div_term))
    pos_enc = pos_enc / math.sqrt(hidden_size)
    return pos_enc


def setup_inputs(seed: int = 0) -> dict:
    key = jax.random.key(seed)
    position_ids = jax.random.randint(key, (BATCH, SEQ_LEN), 0, MAX_SEQ_LEN, dtype=jnp.int64 if jax.config.jax_enable_x64 else jnp.int32)
    pos_enc = build_pos_enc(HIDDEN_SIZE, MAX_SEQ_LEN)
    return {"pos_enc": pos_enc, "position_ids": position_ids}


def reference(pos_enc, position_ids):
    # torch.embedding(weight, indices) == weight[indices] == gather along axis 0
    embeddings = jnp.take(pos_enc, position_ids, axis=0)
    return embeddings

if __name__ == "__main__":
    import jax
    _d = setup_inputs()
    print(jax.jit(kernel)(*tuple(_d.values())))

</pallas_src>

<mosaic_0001>
#map = affine_map<(d0, d1) -> (0, 0)>
#map1 = affine_map<(d0, d1) -> (0)>
module attributes {stable_mosaic.version = 14 : i64} {
  func.func @_gather_body(%arg0: i32, %arg1: i32, %arg2: memref<8192x1024xf32, #tpu.memory_space<hbm>>, %arg3: memref<32768xi32, #tpu.memory_space<hbm>>, %arg4: memref<32768x1024xf32, #tpu.memory_space<hbm>>, %arg5: memref<1024xi32, #tpu.memory_space<vmem>>, %arg6: memref<8x8x1024xf32, #tpu.memory_space<vmem>>, %arg7: memref<!tpu.dma_semaphore, #tpu.memory_space<semaphore_mem>>, %arg8: memref<!tpu.dma_semaphore, #tpu.memory_space<semaphore_mem>>, %arg9: memref<!tpu.dma_semaphore, #tpu.memory_space<semaphore_mem>>, %arg10: memref<!tpu.dma_semaphore, #tpu.memory_space<semaphore_mem>>, %arg11: memref<!tpu.dma_semaphore, #tpu.memory_space<semaphore_mem>>, %arg12: memref<!tpu.dma_semaphore, #tpu.memory_space<semaphore_mem>>, %arg13: memref<!tpu.dma_semaphore, #tpu.memory_space<semaphore_mem>>, %arg14: memref<!tpu.dma_semaphore, #tpu.memory_space<semaphore_mem>>, %arg15: memref<!tpu.dma_semaphore, #tpu.memory_space<semaphore_mem>>, %arg16: memref<!tpu.dma_semaphore, #tpu.memory_space<semaphore_mem>>, %arg17: memref<!tpu.dma_semaphore, #tpu.memory_space<semaphore_mem>>, %arg18: memref<!tpu.dma_semaphore, #tpu.memory_space<semaphore_mem>>, %arg19: memref<!tpu.dma_semaphore, #tpu.memory_space<semaphore_mem>>, %arg20: memref<!tpu.dma_semaphore, #tpu.memory_space<semaphore_mem>>, %arg21: memref<!tpu.dma_semaphore, #tpu.memory_space<semaphore_mem>>, %arg22: memref<!tpu.dma_semaphore, #tpu.memory_space<semaphore_mem>>) attributes {dimension_semantics = [#tpu.dimension_semantics<core_parallel>, #tpu.dimension_semantics<subcore_parallel>], iteration_bounds = array<i64: 2, 16>, scalar_prefetch = 0 : i64, scratch_operands = 18 : i64, tpu.core_type = #tpu.core_type<sc_vector_subcore>, window_params = [{transform_indices = #map}, {transform_indices = #map1}, {transform_indices = #map}]} {
    %mul3A = arith.constant 2 : i32
    %mul3A_0 = arith.muli %arg1, %mul3A : i32
    %add3A = arith.addi %mul3A_0, %arg0 : i32
    %mul3A_1 = arith.constant 1024 : i32
    %mul3A_2 = arith.muli %add3A, %mul3A_1 : i32
    "tpu.region"() ({
      %run_scoped3A = tpu.sem_alloc : memref<!tpu.dma_semaphore, #tpu.memory_space<semaphore_mem>>
      %dma_start3A_405 = tpu.memref_slice %arg3[%mul3A_2] : memref<32768xi32, #tpu.memory_space<hbm>> -> memref<1024xi32, #tpu.memory_space<hbm>>
      %dma_start3A_406 = tpu.memref_slice %arg3[%mul3A_2] : memref<32768xi32, #tpu.memory_space<hbm>> -> memref<1024xi32, #tpu.memory_space<hbm>>
      tpu.enqueue_dma source(%dma_start3A_406 : memref<1024xi32, #tpu.memory_space<hbm>>) target(%arg5 : memref<1024xi32, #tpu.memory_space<vmem>>) target_semaphore(%run_scoped3A : memref<!tpu.dma_semaphore, #tpu.memory_space<semaphore_mem>>)
      %dma_wait3A_407 = tpu.memref_slice %arg3[%mul3A_2] : memref<32768xi32, #tpu.memory_space<hbm>> -> memref<1024xi32, #tpu.memory_space<hbm>>
      %dma_wait3A_408 = tpu.memref_slice %arg3[%mul3A_2] : memref<32768xi32, #tpu.memory_space<hbm>> -> memref<1024xi32, #tpu.memory_space<hbm>>
      tpu.wait_dma2 semaphore(%run_scoped3A : memref<!tpu.dma_semaphore, #tpu.memory_space<semaphore_mem>>) src(%dma_wait3A_408 : memref<1024xi32, #tpu.memory_space<hbm>>) dst(%arg5 : memref<1024xi32, #tpu.memory_space<vmem>>)
      tpu.yield
    }) : () -> ()
    %dma_start3A = arith.constant 0 : i32
    %dma_start3A_3 = arith.constant 0 : i32
    %dma_start3A_4 = arith.constant 0 : i32
    %dma_start3A_5 = tpu.memref_slice %arg6[%dma_start3A, %dma_start3A_3, %dma_start3A_4] : memref<8x8x1024xf32, #tpu.memory_space<vmem>> -> memref<1x8x1024xf32, #tpu.memory_space<vmem>>
    %dma_start3A_6 = tpu.memref_squeeze %dma_start3A_5 : memref<1x8x1024xf32, #tpu.memory_space<vmem>> -> memref<8x1024xf32, #tpu.memory_space<vmem>>
    %dma_start3A_7 = arith.constant 0 : i32
    %dma_start3A_8 = tpu.memref_slice %arg5[%dma_start3A_7] : memref<1024xi32, #tpu.memory_space<vmem>> -> memref<8xi32, #tpu.memory_space<vmem>>
    %dma_start3A_9 = arith.constant 0 : i32
    %dma_start3A_10 = arith.constant 0 : i32
    %dma_start3A_11 = tpu.memref_slice %arg2[%dma_start3A_9, %dma_start3A_10] : memref<8192x1024xf32, #tpu.memory_space<hbm>> -> memref<8192x1024xf32, #tpu.memory_space<hbm>>
    tpu.enqueue_indirect_dma source(%dma_start3A_11 : memref<8192x1024xf32, #tpu.memory_space<hbm>>) target(%dma_start3A_6 : memref<8x1024xf32, #tpu.memory_space<vmem>>) offsets(%dma_start3A_8 : memref<8xi32, #tpu.memory_space<vmem>>) semaphore(%arg7 : memref<!tpu.dma_semaphore, #tpu.memory_space<semaphore_mem>>)
    %dma_start3A_12 = arith.constant 1 : i32
    %dma_start3A_13 = arith.constant 0 : i32
    %dma_start3A_14 = arith.constant 0 : i32
    %dma_start3A_15 = tpu.memref_slice %arg6[%dma_start3A_12, %dma_start3A_13, %dma_start3A_14] : memref<8x8x1024xf32, #tpu.memory_space<vmem>> -> memref<1x8x1024xf32, #tpu.memory_space<vmem>>
    %dma_start3A_16 = tpu.memref_squeeze %dma_start3A_15 : memref<1x8x1024xf32, #tpu.memory_space<vmem>> -> memref<8x1024xf32, #tpu.memory_space<vmem>>
    %dma_start3A_17 = arith.constant 8 : i32
    %dma_start3A_18 = tpu.memref_slice %arg5[%dma_start3A_17] : memref<1024xi32, #tpu.memory_space<vmem>> -> memref<8xi32, #tpu.memory_space<vmem>>
    %dma_start3A_19 = arith.constant 0 : i32
    %dma_start3A_20 = arith.constant 0 : i32
    %dma_start3A_21 = tpu.memref_slice %arg2[%dma_start3A_19, %dma_start3A_20] : memref<8192x1024xf32, #tpu.memory_space<hbm>> -> memref<8192x1024xf32, #tpu.memory_space<hbm>>
    tpu.enqueue_indirect_dma source(%dma_start3A_21 : memref<8192x1024xf32, #tpu.memory_space<hbm>>) target(%dma_start3A_16 : memref<8x1024xf32, #tpu.memory_space<vmem>>) offsets(%dma_start3A_18 : memref<8xi32, #tpu.memory_space<vmem>>) semaphore(%arg8 : memref<!tpu.dma_semaphore, #tpu.memory_space<semaphore_mem>>)
    %dma_start3A_22 = arith.constant 2 : i32
    %dma_start3A_23 = arith.constant 0 : i32
    %dma_start3A_24 = arith.constant 0 : i32
    %dma_start3A_25 = tpu.memref_slice %arg6[%dma_start3A_22, %dma_start3A_23, %dma_start3A_24] : memref<8x8x1024xf32, #tpu.memory_space<vmem>> -> memref<1x8x1024xf32, #tpu.memory_space<vmem>>
    %dma_start3A_26 = tpu.memref_squeeze %dma_start3A_25 : memref<1x8x1024xf32, #tpu.memory_space<vmem>> -> memref<8x1024xf32, #tpu.memory_space<vmem>>
    %dma_start3A_27 = arith.constant 16 : i32
    %dma_start3A_28 = tpu.memref_slice %arg5[%dma_start3A_27] : memref<1024xi32, #tpu.memory_space<vmem>> -> memref<8xi32, #tpu.memory_space<vmem>>
    %dma_start3A_29 = arith.constant 0 : i32
    %dma_start3A_30 = arith.constant 0 : i32
    %dma_start3A_31 = tpu.memref_slice %arg2[%dma_start3A_29, %dma_start3A_30] : memref<8192x1024xf32, #tpu.memory_space<hbm>> -> memref<8192x1024xf32, #tpu.memory_space<hbm>>
    tpu.enqueue_indirect_dma source(%dma_start3A_31 : memref<8192x1024xf32, #tpu.memory_space<hbm>>) target(%dma_start3A_26 : memref<8x1024xf32, #tpu.memory_space<vmem>>) offsets(%dma_start3A_28 : memref<8xi32, #tpu.memory_space<vmem>>) semaphore(%arg9 : memref<!tpu.dma_semaphore, #tpu.memory_space<semaphore_mem>>)
    %dma_start3A_32 = arith.constant 3 : i32
    %dma_start3A_33 = arith.constant 0 : i32
    %dma_start3A_34 = arith.constant 0 : i32
    %dma_start3A_35 = tpu.memref_slice %arg6[%dma_start3A_32, %dma_start3A_33, %dma_start3A_34] : memref<8x8x1024xf32, #tpu.memory_space<vmem>> -> memref<1x8x1024xf32, #tpu.memory_space<vmem>>
    %dma_start3A_36 = tpu.memref_squeeze %dma_start3A_35 : memref<1x8x1024xf32, #tpu.memory_space<vmem>> -> memref<8x1024xf32, #tpu.memory_space<vmem>>
    %dma_start3A_37 = arith.constant 24 : i32
    %dma_start3A_38 = tpu.memref_slice %arg5[%dma_start3A_37] : memref<1024xi32, #tpu.memory_space<vmem>> -> memref<8xi32, #tpu.memory_space<vmem>>
    %dma_start3A_39 = arith.constant 0 : i32
    %dma_start3A_40 = arith.constant 0 : i32
    %dma_start3A_41 = tpu.memref_slice %arg2[%dma_start3A_39, %dma_start3A_40] : memref<8192x1024xf32, #tpu.memory_space<hbm>> -> memref<8192x1024xf32, #tpu.memory_space<hbm>>
    tpu.enqueue_indirect_dma source(%dma_start3A_41 : memref<8192x1024xf32, #tpu.memory_space<hbm>>) target(%dma_start3A_36 : memref<8x1024xf32, #tpu.memory_space<vmem>>) offsets(%dma_start3A_38 : memref<8xi32, #tpu.memory_space<vmem>>) semaphore(%arg10 : memref<!tpu.dma_semaphore, #tpu.memory_space<semaphore_mem>>)
    %dma_start3A_42 = arith.constant 4 : i32
    %dma_start3A_43 = arith.constant 0 : i32
    %dma_start3A_44 = arith.constant 0 : i32
    %dma_start3A_45 = tpu.memref_slice %arg6[%dma_start3A_42, %dma_start3A_43, %dma_start3A_44] : memref<8x8x1024xf32, #tpu.memory_space<vmem>> -> memref<1x8x1024xf32, #tpu.memory_space<vmem>>
    %dma_start3A_46 = tpu.memref_squeeze %dma_start3A_45 : memref<1x8x1024xf32, #tpu.memory_space<vmem>> -> memref<8x1024xf32, #tpu.memory_space<vmem>>
    %dma_start3A_47 = arith.constant 32 : i32
    %dma_start3A_48 = tpu.memref_slice %arg5[%dma_start3A_47] : memref<1024xi32, #tpu.memory_space<vmem>> -> memref<8xi32, #tpu.memory_space<vmem>>
    %dma_start3A_49 = arith.constant 0 : i32
    %dma_start3A_50 = arith.constant 0 : i32
    %dma_start3A_51 = tpu.memref_slice %arg2[%dma_start3A_49, %dma_start3A_50] : memref<8192x1024xf32, #tpu.memory_space<hbm>> -> memref<8192x1024xf32, #tpu.memory_space<hbm>>
    tpu.enqueue_indirect_dma source(%dma_start3A_51 : memref<8192x1024xf32, #tpu.memory_space<hbm>>) target(%dma_start3A_46 : memref<8x1024xf32, #tpu.memory_space<vmem>>) offsets(%dma_start3A_48 : memref<8xi32, #tpu.memory_space<vmem>>) semaphore(%arg11 : memref<!tpu.dma_semaphore, #tpu.memory_space<semaphore_mem>>)
    %dma_start3A_52 = arith.constant 5 : i32
    %dma_start3A_53 = arith.constant 0 : i32
    %dma_start3A_54 = arith.constant 0 : i32
    %dma_start3A_55 = tpu.memref_slice %arg6[%dma_start3A_52, %dma_start3A_53, %dma_start3A_54] : memref<8x8x1024xf32, #tpu.memory_space<vmem>> -> memref<1x8x1024xf32, #tpu.memory_space<vmem>>
    %dma_start3A_56 = tpu.memref_squeeze %dma_start3A_55 : memref<1x8x1024xf32, #tpu.memory_space<vmem>> -> memref<8x1024xf32, #tpu.memory_space<vmem>>
    %dma_start3A_57 = arith.constant 40 : i32
    %dma_start3A_58 = tpu.memref_slice %arg5[%dma_start3A_57] : memref<1024xi32, #tpu.memory_space<vmem>> -> memref<8xi32, #tpu.memory_space<vmem>>
    %dma_start3A_59 = arith.constant 0 : i32
    %dma_start3A_60 = arith.constant 0 : i32
    %dma_start3A_61 = tpu.memref_slice %arg2[%dma_start3A_59, %dma_start3A_60] : memref<8192x1024xf32, #tpu.memory_space<hbm>> -> memref<8192x1024xf32, #tpu.memory_space<hbm>>
    tpu.enqueue_indirect_dma source(%dma_start3A_61 : memref<8192x1024xf32, #tpu.memory_space<hbm>>) target(%dma_start3A_56 : memref<8x1024xf32, #tpu.memory_space<vmem>>) offsets(%dma_start3A_58 : memref<8xi32, #tpu.memory_space<vmem>>) semaphore(%arg12 : memref<!tpu.dma_semaphore, #tpu.memory_space<semaphore_mem>>)
    %dma_start3A_62 = arith.constant 6 : i32
    %dma_start3A_63 = arith.constant 0 : i32
    %dma_start3A_64 = arith.constant 0 : i32
    %dma_start3A_65 = tpu.memref_slice %arg6[%dma_start3A_62, %dma_start3A_63, %dma_start3A_64] : memref<8x8x1024xf32, #tpu.memory_space<vmem>> -> memref<1x8x1024xf32, #tpu.memory_space<vmem>>
    %dma_start3A_66 = tpu.memref_squeeze %dma_start3A_65 : memref<1x8x1024xf32, #tpu.memory_space<vmem>> -> memref<8x1024xf32, #tpu.memory_space<vmem>>
    %dma_start3A_67 = arith.constant 48 : i32
    %dma_start3A_68 = tpu.memref_slice %arg5[%dma_start3A_67] : memref<1024xi32, #tpu.memory_space<vmem>> -> memref<8xi32, #tpu.memory_space<vmem>>
    %dma_start3A_69 = arith.constant 0 : i32
    %dma_start3A_70 = arith.constant 0 : i32
    %dma_start3A_71 = tpu.memref_slice %arg2[%dma_start3A_69, %dma_start3A_70] : memref<8192x1024xf32, #tpu.memory_space<hbm>> -> memref<8192x1024xf32, #tpu.memory_space<hbm>>
    tpu.enqueue_indirect_dma source(%dma_start3A_71 : memref<8192x1024xf32, #tpu.memory_space<hbm>>) target(%dma_start3A_66 : memref<8x1024xf32, #tpu.memory_space<vmem>>) offsets(%dma_start3A_68 : memref<8xi32, #tpu.memory_space<vmem>>) semaphore(%arg13 : memref<!tpu.dma_semaphore, #tpu.memory_space<semaphore_mem>>)
    %dma_start3A_72 = arith.constant 7 : i32
    %dma_start3A_73 = arith.constant 0 : i32
    %dma_start3A_74 = arith.constant 0 : i32
    %dma_start3A_75 = tpu.memref_slice %arg6[%dma_start3A_72, %dma_start3A_73, %dma_start3A_74] : memref<8x8x1024xf32, #tpu.memory_space<vmem>> -> memref<1x8x1024xf32, #tpu.memory_space<vmem>>
    %dma_start3A_76 = tpu.memref_squeeze %dma_start3A_75 : memref<1x8x1024xf32, #tpu.memory_space<vmem>> -> memref<8x1024xf32, #tpu.memory_space<vmem>>
    %dma_start3A_77 = arith.constant 56 : i32
    %dma_start3A_78 = tpu.memref_slice %arg5[%dma_start3A_77] : memref<1024xi32, #tpu.memory_space<vmem>> -> memref<8xi32, #tpu.memory_space<vmem>>
    %dma_start3A_79 = arith.constant 0 : i32
    %dma_start3A_80 = arith.constant 0 : i32
    %dma_start3A_81 = tpu.memref_slice %arg2[%dma_start3A_79, %dma_start3A_80] : memref<8192x1024xf32, #tpu.memory_space<hbm>> -> memref<8192x1024xf32, #tpu.memory_space<hbm>>
    tpu.enqueue_indirect_dma source(%dma_start3A_81 : memref<8192x1024xf32, #tpu.memory_space<hbm>>) target(%dma_start3A_76 : memref<8x1024xf32, #tpu.memory_space<vmem>>) offsets(%dma_start3A_78 : memref<8xi32, #tpu.memory_space<vmem>>) semaphore(%arg14 : memref<!tpu.dma_semaphore, #tpu.memory_space<semaphore_mem>>)
    %scan3A = arith.constant 0 : i32
    %scan3A_82 = arith.constant 15 : i32
    %scan3A_83 = arith.addi %scan3A, %scan3A_82 : i32
    %scan3A_84 = arith.constant 1 : i32
    scf.for %scan3A_405 = %scan3A to %scan3A_83 step %scan3A_84  : i32 {
      %mul3A_406 = arith.constant 8 : i32
      %mul3A_407 = arith.muli %scan3A_405, %mul3A_406 : i32
      %add3A_408 = arith.constant 0 : i32
      %add3A_409 = arith.addi %mul3A_407, %add3A_408 : i32
      %mul3A_410 = arith.constant 8 : i32
      %mul3A_411 = arith.muli %add3A_409, %mul3A_410 : i32
      %dma_wait3A_412 = arith.constant 0 : i32
      %dma_wait3A_413 = arith.constant 0 : i32
      %dma_wait3A_414 = arith.constant 0 : i32
      %dma_wait3A_415 = tpu.memref_slice %arg6[%dma_wait3A_412, %dma_wait3A_413, %dma_wait3A_414] : memref<8x8x1024xf32, #tpu.memory_space<vmem>> -> memref<1x8x1024xf32, #tpu.memory_space<vmem>>
      %dma_wait3A_416 = tpu.memref_squeeze %dma_wait3A_415 : memref<1x8x1024xf32, #tpu.memory_space<vmem>> -> memref<8x1024xf32, #tpu.memory_space<vmem>>
      %dma_wait3A_417 = tpu.memref_slice %arg5[%mul3A_411] : memref<1024xi32, #tpu.memory_space<vmem>> -> memref<8xi32, #tpu.memory_space<vmem>>
      %dma_wait3A_418 = arith.constant 0 : i32
      %dma_wait3A_419 = arith.constant 0 : i32
      %dma_wait3A_420 = tpu.memref_slice %arg2[%dma_wait3A_418, %dma_wait3A_419] : memref<8192x1024xf32, #tpu.memory_space<hbm>> -> memref<8192x1024xf32, #tpu.memory_space<hbm>>
      tpu.wait_indirect_dma semaphore(%arg7 : memref<!tpu.dma_semaphore, #tpu.memory_space<semaphore_mem>>) src(%dma_wait3A_420 : memref<8192x1024xf32, #tpu.memory_space<hbm>>) dst(%dma_wait3A_416 : memref<8x1024xf32, #tpu.memory_space<vmem>>)
      %mul3A_421 = arith.constant 8 : i32
      %mul3A_422 = arith.muli %add3A_409, %mul3A_421 : i32
      %add3A_423 = arith.addi %mul3A_2, %mul3A_422 : i32
      %dma_start3A_424 = arith.constant 0 : i32
      %dma_start3A_425 = arith.constant 0 : i32
      %dma_start3A_426 = arith.constant 0 : i32
      %dma_start3A_427 = tpu.memref_slice %arg6[%dma_start3A_424, %dma_start3A_425, %dma_start3A_426] : memref<8x8x1024xf32, #tpu.memory_space<vmem>> -> memref<1x8x1024xf32, #tpu.memory_space<vmem>>
      %dma_start3A_428 = tpu.memref_squeeze %dma_start3A_427 : memref<1x8x1024xf32, #tpu.memory_space<vmem>> -> memref<8x1024xf32, #tpu.memory_space<vmem>>
      %dma_start3A_429 = arith.constant 0 : i32
      %dma_start3A_430 = tpu.memref_slice %arg4[%add3A_423, %dma_start3A_429] : memref<32768x1024xf32, #tpu.memory_space<hbm>> -> memref<8x1024xf32, #tpu.memory_space<hbm>>
      %dma_start3A_431 = arith.constant 0 : i32
      %dma_start3A_432 = tpu.memref_slice %arg4[%add3A_423, %dma_start3A_431] : memref<32768x1024xf32, #tpu.memory_space<hbm>> -> memref<8x1024xf32, #tpu.memory_space<hbm>>
      %dma_start3A_433 = arith.constant 0 : i32
      %dma_start3A_434 = arith.constant 0 : i32
      %dma_start3A_435 = tpu.memref_slice %arg6[%dma_start3A_424, %dma_start3A_433, %dma_start3A_434] : memref<8x8x1024xf32, #tpu.memory_space<vmem>> -> memref<1x8x1024xf32, #tpu.memory_space<vmem>>
      %dma_start3A_436 = tpu.memref_squeeze %dma_start3A_435 : memref<1x8x1024xf32, #tpu.memory_space<vmem>> -> memref<8x1024xf32, #tpu.memory_space<vmem>>
      tpu.enqueue_dma source(%dma_start3A_436 : memref<8x1024xf32, #tpu.memory_space<vmem>>) target(%dma_start3A_432 : memref<8x1024xf32, #tpu.memory_space<hbm>>) target_semaphore(%arg15 : memref<!tpu.dma_semaphore, #tpu.memory_space<semaphore_mem>>)
      %mul3A_437 = arith.constant 8 : i32
      %mul3A_438 = arith.muli %scan3A_405, %mul3A_437 : i32
      %add3A_439 = arith.constant 1 : i32
      %add3A_440 = arith.addi %mul3A_438, %add3A_439 : i32
      %mul3A_441 = arith.constant 8 : i32
      %mul3A_442 = arith.muli %add3A_440, %mul3A_441 : i32
      %dma_wait3A_443 = arith.constant 1 : i32
      %dma_wait3A_444 = arith.constant 0 : i32
      %dma_wait3A_445 = arith.constant 0 : i32
      %dma_wait3A_446 = tpu.memref_slice %arg6[%dma_wait3A_443, %dma_wait3A_444, %dma_wait3A_445] : memref<8x8x1024xf32, #tpu.memory_space<vmem>> -> memref<1x8x1024xf32, #tpu.memory_space<vmem>>
      %dma_wait3A_447 = tpu.memref_squeeze %dma_wait3A_446 : memref<1x8x1024xf32, #tpu.memory_space<vmem>> -> memref<8x1024xf32, #tpu.memory_space<vmem>>
      %dma_wait3A_448 = tpu.memref_slice %arg5[%mul3A_442] : memref<1024xi32, #tpu.memory_space<vmem>> -> memref<8xi32, #tpu.memory_space<vmem>>
      %dma_wait3A_449 = arith.constant 0 : i32
      %dma_wait3A_450 = arith.constant 0 : i32
      %dma_wait3A_451 = tpu.memref_slice %arg2[%dma_wait3A_449, %dma_wait3A_450] : memref<8192x1024xf32, #tpu.memory_space<hbm>> -> memref<8192x1024xf32, #tpu.memory_space<hbm>>
      tpu.wait_indirect_dma semaphore(%arg8 : memref<!tpu.dma_semaphore, #tpu.memory_space<semaphore_mem>>) src(%dma_wait3A_451 : memref<8192x1024xf32, #tpu.memory_space<hbm>>) dst(%dma_wait3A_447 : memref<8x1024xf32, #tpu.memory_space<vmem>>)
      %mul3A_452 = arith.constant 8 : i32
      %mul3A_453 = arith.muli %add3A_440, %mul3A_452 : i32
      %add3A_454 = arith.addi %mul3A_2, %mul3A_453 : i32
      %dma_start3A_455 = arith.constant 1 : i32
      %dma_start3A_456 = arith.constant 0 : i32
      %dma_start3A_457 = arith.constant 0 : i32
      %dma_start3A_458 = tpu.memref_slice %arg6[%dma_start3A_455, %dma_start3A_456, %dma_start3A_457] : memref<8x8x1024xf32, #tpu.memory_space<vmem>> -> memref<1x8x1024xf32, #tpu.memory_space<vmem>>
      %dma_start3A_459 = tpu.memref_squeeze %dma_start3A_458 : memref<1x8x1024xf32, #tpu.memory_space<vmem>> -> memref<8x1024xf32, #tpu.memory_space<vmem>>
      %dma_start3A_460 = arith.constant 0 : i32
      %dma_start3A_461 = tpu.memref_slice %arg4[%add3A_454, %dma_start3A_460] : memref<32768x1024xf32, #tpu.memory_space<hbm>> -> memref<8x1024xf32, #tpu.memory_space<hbm>>
      %dma_start3A_462 = arith.constant 0 : i32
      %dma_start3A_463 = tpu.memref_slice %arg4[%add3A_454, %dma_start3A_462] : memref<32768x1024xf32, #tpu.memory_space<hbm>> -> memref<8x1024xf32, #tpu.memory_space<hbm>>
      %dma_start3A_464 = arith.constant 0 : i32
      %dma_start3A_465 = arith.constant 0 : i32
      %dma_start3A_466 = tpu.memref_slice %arg6[%dma_start3A_455, %dma_start3A_464, %dma_start3A_465] : memref<8x8x1024xf32, #tpu.memory_space<vmem>> -> memref<1x8x1024xf32, #tpu.memory_space<vmem>>
      %dma_start3A_467 = tpu.memref_squeeze %dma_start3A_466 : memref<1x8x1024xf32, #tpu.memory_space<vmem>> -> memref<8x1024xf32, #tpu.memory_space<vmem>>
      tpu.enqueue_dma source(%dma_start3A_467 : memref<8x1024xf32, #tpu.memory_space<vmem>>) target(%dma_start3A_463 : memref<8x1024xf32, #tpu.memory_space<hbm>>) target_semaphore(%arg16 : memref<!tpu.dma_semaphore, #tpu.memory_space<semaphore_mem>>)
      %mul3A_468 = arith.constant 8 : i32
      %mul3A_469 = arith.muli %scan3A_405, %mul3A_468 : i32
      %add3A_470 = arith.constant 2 : i32
      %add3A_471 = arith.addi %mul3A_469, %add3A_470 : i32
      %mul3A_472 = arith.constant 8 : i32
      %mul3A_473 = arith.muli %add3A_471, %mul3A_472 : i32
      %dma_wait3A_474 = arith.constant 2 : i32
      %dma_wait3A_475 = arith.constant 0 : i32
      %dma_wait3A_476 = arith.constant 0 : i32
      %dma_wait3A_477 = tpu.memref_slice %arg6[%dma_wait3A_474, %dma_wait3A_475, %dma_wait3A_476] : memref<8x8x1024xf32, #tpu.memory_space<vmem>> -> memref<1x8x1024xf32, #tpu.memory_space<vmem>>
      %dma_wait3A_478 = tpu.memref_squeeze %dma_wait3A_477 : memref<1x8x1024xf32, #tpu.memory_space<vmem>> -> memref<8x1024xf32, #tpu.memory_space<vmem>>
      %dma_wait3A_479 = tpu.memref_slice %arg5[%mul3A_473] : memref<1024xi32, #tpu.memory_space<vmem>> -> memref<8xi32, #tpu.memory_space<vmem>>
      %dma_wait3A_480 = arith.constant 0 : i32
      %dma_wait3A_481 = arith.constant 0 : i32
      %dma_wait3A_482 = tpu.memref_slice %arg2[%dma_wait3A_480, %dma_wait3A_481] : memref<8192x1024xf32, #tpu.memory_space<hbm>> -> memref<8192x1024xf32, #tpu.memory_space<hbm>>
      tpu.wait_indirect_dma semaphore(%arg9 : memref<!tpu.dma_semaphore, #tpu.memory_space<semaphore_mem>>) src(%dma_wait3A_482 : memref<8192x1024xf32, #tpu.memory_space<hbm>>) dst(%dma_wait3A_478 : memref<8x1024xf32, #tpu.memory_space<vmem>>)
      %mul3A_483 = arith.constant 8 : i32
      %mul3A_484 = arith.muli %add3A_471, %mul3A_483 : i32
      %add3A_485 = arith.addi %mul3A_2, %mul3A_484 : i32
      %dma_start3A_486 = arith.constant 2 : i32
      %dma_start3A_487 = arith.constant 0 : i32
      %dma_start3A_488 = arith.constant 0 : i32
      %dma_start3A_489 = tpu.memref_slice %arg6[%dma_start3A_486, %dma_start3A_487, %dma_start3A_488] : memref<8x8x1024xf32, #tpu.memory_space<vmem>> -> memref<1x8x1024xf32, #tpu.memory_space<vmem>>
      %dma_start3A_490 = tpu.memref_squeeze %dma_start3A_489 : memref<1x8x1024xf32, #tpu.memory_space<vmem>> -> memref<8x1024xf32, #tpu.memory_space<vmem>>
      %dma_start3A_491 = arith.constant 0 : i32
      %dma_start3A_492 = tpu.memref_slice %arg4[%add3A_485, %dma_start3A_491] : memref<32768x1024xf32, #tpu.memory_space<hbm>> -> memref<8x1024xf32, #tpu.memory_space<hbm>>
      %dma_start3A_493 = arith.constant 0 : i32
      %dma_start3A_494 = tpu.memref_slice %arg4[%add3A_485, %dma_start3A_493] : memref<32768x1024xf32, #tpu.memory_space<hbm>> -> memref<8x1024xf32, #tpu.memory_space<hbm>>
      %dma_start3A_495 = arith.constant 0 : i32
      %dma_start3A_496 = arith.constant 0 : i32
      %dma_start3A_497 = tpu.memref_slice %arg6[%dma_start3A_486, %dma_start3A_495, %dma_start3A_496] : memref<8x8x1024xf32, #tpu.memory_space<vmem>> -> memref<1x8x1024xf32, #tpu.memory_space<vmem>>
      %dma_start3A_498 = tpu.memref_squeeze %dma_start3A_497 : memref<1x8x1024xf32, #tpu.memory_space<vmem>> -> memref<8x1024xf32, #tpu.memory_space<vmem>>
      tpu.enqueue_dma source(%dma_start3A_498 : memref<8x1024xf32, #tpu.memory_space<vmem>>) target(%dma_start3A_494 : memref<8x1024xf32, #tpu.memory_space<hbm>>) target_semaphore(%arg17 : memref<!tpu.dma_semaphore, #tpu.memory_space<semaphore_mem>>)
      %mul3A_499 = arith.constant 8 : i32
      %mul3A_500 = arith.muli %scan3A_405, %mul3A_499 : i32
      %add3A_501 = arith.constant 3 : i32
      %add3A_502 = arith.addi %mul3A_500, %add3A_501 : i32
      %mul3A_503 = arith.constant 8 : i32
      %mul3A_504 = arith.muli %add3A_502, %mul3A_503 : i32
      %dma_wait3A_505 = arith.constant 3 : i32
      %dma_wait3A_506 = arith.constant 0 : i32
      %dma_wait3A_507 = arith.constant 0 : i32
      %dma_wait3A_508 = tpu.memref_slice %arg6[%dma_wait3A_505, %dma_wait3A_506, %dma_wait3A_507] : memref<8x8x1024xf32, #tpu.memory_space<vmem>> -> memref<1x8x1024xf32, #tpu.memory_space<vmem>>
      %dma_wait3A_509 = tpu.memref_squeeze %dma_wait3A_508 : memref<1x8x1024xf32, #tpu.memory_space<vmem>> -> memref<8x1024xf32, #tpu.memory_space<vmem>>
      %dma_wait3A_510 = tpu.memref_slice %arg5[%mul3A_504] : memref<1024xi32, #tpu.memory_space<vmem>> -> memref<8xi32, #tpu.memory_space<vmem>>
      %dma_wait3A_511 = arith.constant 0 : i32
      %dma_wait3A_512 = arith.constant 0 : i32
      %dma_wait3A_513 = tpu.memref_slice %arg2[%dma_wait3A_511, %dma_wait3A_512] : memref<8192x1024xf32, #tpu.memory_space<hbm>> -> memref<8192x1024xf32, #tpu.memory_space<hbm>>
      tpu.wait_indirect_dma semaphore(%arg10 : memref<!tpu.dma_semaphore, #tpu.memory_space<semaphore_mem>>) src(%dma_wait3A_513 : memref<8192x1024xf32, #tpu.memory_space<hbm>>) dst(%dma_wait3A_509 : memref<8x1024xf32, #tpu.memory_space<vmem>>)
      %mul3A_514 = arith.constant 8 : i32
      %mul3A_515 = arith.muli %add3A_502, %mul3A_514 : i32
      %add3A_516 = arith.addi %mul3A_2, %mul3A_515 : i32
      %dma_start3A_517 = arith.constant 3 : i32
      %dma_start3A_518 = arith.constant 0 : i32
      %dma_start3A_519 = arith.constant 0 : i32
      %dma_start3A_520 = tpu.memref_slice %arg6[%dma_start3A_517, %dma_start3A_518, %dma_start3A_519] : memref<8x8x1024xf32, #tpu.memory_space<vmem>> -> memref<1x8x1024xf32, #tpu.memory_space<vmem>>
      %dma_start3A_521 = tpu.memref_squeeze %dma_start3A_520 : memref<1x8x1024xf32, #tpu.memory_space<vmem>> -> memref<8x1024xf32, #tpu.memory_space<vmem>>
      %dma_start3A_522 = arith.constant 0 : i32
      %dma_start3A_523 = tpu.memref_slice %arg4[%add3A_516, %dma_start3A_522] : memref<32768x1024xf32, #tpu.memory_space<hbm>> -> memref<8x1024xf32, #tpu.memory_space<hbm>>
      %dma_start3A_524 = arith.constant 0 : i32
      %dma_start3A_525 = tpu.memref_slice %arg4[%add3A_516, %dma_start3A_524] : memref<32768x1024xf32, #tpu.memory_space<hbm>> -> memref<8x1024xf32, #tpu.memory_space<hbm>>
      %dma_start3A_526 = arith.constant 0 : i32
      %dma_start3A_527 = arith.constant 0 : i32
      %dma_start3A_528 = tpu.memref_slice %arg6[%dma_start3A_517, %dma_start3A_526, %dma_start3A_527] : memref<8x8x1024xf32, #tpu.memory_space<vmem>> -> memref<1x8x1024xf32, #tpu.memory_space<vmem>>
      %dma_start3A_529 = tpu.memref_squeeze %dma_start3A_528 : memref<1x8x1024xf32, #tpu.memory_space<vmem>> -> memref<8x1024xf32, #tpu.memory_space<vmem>>
      tpu.enqueue_dma source(%dma_start3A_529 : memref<8x1024xf32, #tpu.memory_space<vmem>>) target(%dma_start3A_525 : memref<8x1024xf32, #tpu.memory_space<hbm>>) target_semaphore(%arg18 : memref<!tpu.dma_semaphore, #tpu.memory_space<semaphore_mem>>)
      %mul3A_530 = arith.constant 8 : i32
      %mul3A_531 = arith.muli %scan3A_405, %mul3A_530 : i32
      %add3A_532 = arith.constant 4 : i32
      %add3A_533 = arith.addi %mul3A_531, %add3A_532 : i32
      %mul3A_534 = arith.constant 8 : i32
      %mul3A_535 = arith.muli %add3A_533, %mul3A_534 : i32
      %dma_wait3A_536 = arith.constant 4 : i32
      %dma_wait3A_537 = arith.constant 0 : i32
      %dma_wait3A_538 = arith.constant 0 : i32
      %dma_wait3A_539 = tpu.memref_slice %arg6[%dma_wait3A_536, %dma_wait3A_537, %dma_wait3A_538] : memref<8x8x1024xf32, #tpu.memory_space<vmem>> -> memref<1x8x1024xf32, #tpu.memory_space<vmem>>
      %dma_wait3A_540 = tpu.memref_squeeze %dma_wait3A_539 : memref<1x8x1024xf32, #tpu.memory_space<vmem>> -> memref<8x1024xf32, #tpu.memory_space<vmem>>
      %dma_wait3A_541 = tpu.memref_slice %arg5[%mul3A_535] : memref<1024xi32, #tpu.memory_space<vmem>> -> memref<8xi32, #tpu.memory_space<vmem>>
      %dma_wait3A_542 = arith.constant 0 : i32
      %dma_wait3A_543 = arith.constant 0 : i32
      %dma_wait3A_544 = tpu.memref_slice %arg2[%dma_wait3A_542, %dma_wait3A_543] : memref<8192x1024xf32, #tpu.memory_space<hbm>> -> memref<8192x1024xf32, #tpu.memory_space<hbm>>
      tpu.wait_indirect_dma semaphore(%arg11 : memref<!tpu.dma_semaphore, #tpu.memory_space<semaphore_mem>>) src(%dma_wait3A_544 : memref<8192x1024xf32, #tpu.memory_space<hbm>>) dst(%dma_wait3A_540 : memref<8x1024xf32, #tpu.memory_space<vmem>>)
      %mul3A_545 = arith.constant 8 : i32
      %mul3A_546 = arith.muli %add3A_533, %mul3A_545 : i32
      %add3A_547 = arith.addi %mul3A_2, %mul3A_546 : i32
      %dma_start3A_548 = arith.constant 4 : i32
      %dma_start3A_549 = arith.constant 0 : i32
      %dma_start3A_550 = arith.constant 0 : i32
      %dma_start3A_551 = tpu.memref_slice %arg6[%dma_start3A_548, %dma_start3A_549, %dma_start3A_550] : memref<8x8x1024xf32, #tpu.memory_space<vmem>> -> memref<1x8x1024xf32, #tpu.memory_space<vmem>>
      %dma_start3A_552 = tpu.memref_squeeze %dma_start3A_551 : memref<1x8x1024xf32, #tpu.memory_space<vmem>> -> memref<8x1024xf32, #tpu.memory_space<vmem>>
      %dma_start3A_553 = arith.constant 0 : i32
      %dma_start3A_554 = tpu.memref_slice %arg4[%add3A_547, %dma_start3A_553] : memref<32768x1024xf32, #tpu.memory_space<hbm>> -> memref<8x1024xf32, #tpu.memory_space<hbm>>
      %dma_start3A_555 = arith.constant 0 : i32
      %dma_start3A_556 = tpu.memref_slice %arg4[%add3A_547, %dma_start3A_555] : memref<32768x1024xf32, #tpu.memory_space<hbm>> -> memref<8x1024xf32, #tpu.memory_space<hbm>>
      %dma_start3A_557 = arith.constant 0 : i32
      %dma_start3A_558 = arith.constant 0 : i32
      %dma_start3A_559 = tpu.memref_slice %arg6[%dma_start3A_548, %dma_start3A_557, %dma_start3A_558] : memref<8x8x1024xf32, #tpu.memory_space<vmem>> -> memref<1x8x1024xf32, #tpu.memory_space<vmem>>
      %dma_start3A_560 = tpu.memref_squeeze %dma_start3A_559 : memref<1x8x1024xf32, #tpu.memory_space<vmem>> -> memref<8x1024xf32, #tpu.memory_space<vmem>>
      tpu.enqueue_dma source(%dma_start3A_560 : memref<8x1024xf32, #tpu.memory_space<vmem>>) target(%dma_start3A_556 : memref<8x1024xf32, #tpu.memory_space<hbm>>) target_semaphore(%arg19 : memref<!tpu.dma_semaphore, #tpu.memory_space<semaphore_mem>>)
      %mul3A_561 = arith.constant 8 : i32
      %mul3A_562 = arith.muli %scan3A_405, %mul3A_561 : i32
      %add3A_563 = arith.constant 5 : i32
      %add3A_564 = arith.addi %mul3A_562, %add3A_563 : i32
      %mul3A_565 = arith.constant 8 : i32
      %mul3A_566 = arith.muli %add3A_564, %mul3A_565 : i32
      %dma_wait3A_567 = arith.constant 5 : i32
      %dma_wait3A_568 = arith.constant 0 : i32
      %dma_wait3A_569 = arith.constant 0 : i32
      %dma_wait3A_570 = tpu.memref_slice %arg6[%dma_wait3A_567, %dma_wait3A_568, %dma_wait3A_569] : memref<8x8x1024xf32, #tpu.memory_space<vmem>> -> memref<1x8x1024xf32, #tpu.memory_space<vmem>>
      %dma_wait3A_571 = tpu.memref_squeeze %dma_wait3A_570 : memref<1x8x1024xf32, #tpu.memory_space<vmem>> -> memref<8x1024xf32, #tpu.memory_space<vmem>>
      %dma_wait3A_572 = tpu.memref_slice %arg5[%mul3A_566] : memref<1024xi32, #tpu.memory_space<vmem>> -> memref<8xi32, #tpu.memory_space<vmem>>
      %dma_wait3A_573 = arith.constant 0 : i32
      %dma_wait3A_574 = arith.constant 0 : i32
      %dma_wait3A_575 = tpu.memref_slice %arg2[%dma_wait3A_573, %dma_wait3A_574] : memref<8192x1024xf32, #tpu.memory_space<hbm>> -> memref<8192x1024xf32, #tpu.memory_space<hbm>>
      tpu.wait_indirect_dma semaphore(%arg12 : memref<!tpu.dma_semaphore, #tpu.memory_space<semaphore_mem>>) src(%dma_wait3A_575 : memref<8192x1024xf32, #tpu.memory_space<hbm>>) dst(%dma_wait3A_571 : memref<8x1024xf32, #tpu.memory_space<vmem>>)
      %mul3A_576 = arith.constant 8 : i32
      %mul3A_577 = arith.muli %add3A_564, %mul3A_576 : i32
      %add3A_578 = arith.addi %mul3A_2, %mul3A_577 : i32
      %dma_start3A_579 = arith.constant 5 : i32
      %dma_start3A_580 = arith.constant 0 : i32
      %dma_start3A_581 = arith.constant 0 : i32
      %dma_start3A_582 = tpu.memref_slice %arg6[%dma_start3A_579, %dma_start3A_580, %dma_start3A_581] : memref<8x8x1024xf32, #tpu.memory_space<vmem>> -> memref<1x8x1024xf32, #tpu.memory_space<vmem>>
      %dma_start3A_583 = tpu.memref_squeeze %dma_start3A_582 : memref<1x8x1024xf32, #tpu.memory_space<vmem>> -> memref<8x1024xf32, #tpu.memory_space<vmem>>
      %dma_start3A_584 = arith.constant 0 : i32
      %dma_start3A_585 = tpu.memref_slice %arg4[%add3A_578, %dma_start3A_584] : memref<32768x1024xf32, #tpu.memory_space<hbm>> -> memref<8x1024xf32, #tpu.memory_space<hbm>>
      %dma_start3A_586 = arith.constant 0 : i32
      %dma_start3A_587 = tpu.memref_slice %arg4[%add3A_578, %dma_start3A_586] : memref<32768x1024xf32, #tpu.memory_space<hbm>> -> memref<8x1024xf32, #tpu.memory_space<hbm>>
      %dma_start3A_588 = arith.constant 0 : i32
      %dma_start3A_589 = arith.constant 0 : i32
      %dma_start3A_590 = tpu.memref_slice %arg6[%dma_start3A_579, %dma_start3A_588, %dma_start3A_589] : memref<8x8x1024xf32, #tpu.memory_space<vmem>> -> memref<1x8x1024xf32, #tpu.memory_space<vmem>>
      %dma_start3A_591 = tpu.memref_squeeze %dma_start3A_590 : memref<1x8x1024xf32, #tpu.memory_space<vmem>> -> memref<8x1024xf32, #tpu.memory_space<vmem>>
      tpu.enqueue_dma source(%dma_start3A_591 : memref<8x1024xf32, #tpu.memory_space<vmem>>) target(%dma_start3A_587 : memref<8x1024xf32, #tpu.memory_space<hbm>>) target_semaphore(%arg20 : memref<!tpu.dma_semaphore, #tpu.memory_space<semaphore_mem>>)
      %mul3A_592 = arith.constant 8 : i32
      %mul3A_593 = arith.muli %scan3A_405, %mul3A_592 : i32
      %add3A_594 = arith.constant 6 : i32
      %add3A_595 = arith.addi %mul3A_593, %add3A_594 : i32
      %mul3A_596 = arith.constant 8 : i32
      %mul3A_597 = arith.muli %add3A_595, %mul3A_596 : i32
      %dma_wait3A_598 = arith.constant 6 : i32
      %dma_wait3A_599 = arith.constant 0 : i32
      %dma_wait3A_600 = arith.constant 0 : i32
      %dma_wait3A_601 = tpu.memref_slice %arg6[%dma_wait3A_598, %dma_wait3A_599, %dma_wait3A_600] : memref<8x8x1024xf32, #tpu.memory_space<vmem>> -> memref<1x8x1024xf32, #tpu.memory_space<vmem>>
      %dma_wait3A_602 = tpu.memref_squeeze %dma_wait3A_601 : memref<1x8x1024xf32, #tpu.memory_space<vmem>> -> memref<8x1024xf32, #tpu.memory_space<vmem>>
      %dma_wait3A_603 = tpu.memref_slice %arg5[%mul3A_597] : memref<1024xi32, #tpu.memory_space<vmem>> -> memref<8xi32, #tpu.memory_space<vmem>>
      %dma_wait3A_604 = arith.constant 0 : i32
      %dma_wait3A_605 = arith.constant 0 : i32
      %dma_wait3A_606 = tpu.memref_slice %arg2[%dma_wait3A_604, %dma_wait3A_605] : memref<8192x1024xf32, #tpu.memory_space<hbm>> -> memref<8192x1024xf32, #tpu.memory_space<hbm>>
      tpu.wait_indirect_dma semaphore(%arg13 : memref<!tpu.dma_semaphore, #tpu.memory_space<semaphore_mem>>) src(%dma_wait3A_606 : memref<8192x1024xf32, #tpu.memory_space<hbm>>) dst(%dma_wait3A_602 : memref<8x1024xf32, #tpu.memory_space<vmem>>)
      %mul3A_607 = arith.constant 8 : i32
      %mul3A_608 = arith.muli %add3A_595, %mul3A_607 : i32
      %add3A_609 = arith.addi %mul3A_2, %mul3A_608 : i32
      %dma_start3A_610 = arith.constant 6 : i32
      %dma_start3A_611 = arith.constant 0 : i32
      %dma_start3A_612 = arith.constant 0 : i32
      %dma_start3A_613 = tpu.memref_slice %arg6[%dma_start3A_610, %dma_start3A_611, %dma_start3A_612] : memref<8x8x1024xf32, #tpu.memory_space<vmem>> -> memref<1x8x1024xf32, #tpu.memory_space<vmem>>
      %dma_start3A_614 = tpu.memref_squeeze %dma_start3A_613 : memref<1x8x1024xf32, #tpu.memory_space<vmem>> -> memref<8x1024xf32, #tpu.memory_space<vmem>>
      %dma_start3A_615 = arith.constant 0 : i32
      %dma_start3A_616 = tpu.memref_slice %arg4[%add3A_609, %dma_start3A_615] : memref<32768x1024xf32, #tpu.memory_space<hbm>> -> memref<8x1024xf32, #tpu.memory_space<hbm>>
      %dma_start3A_617 = arith.constant 0 : i32
      %dma_start3A_618 = tpu.memref_slice %arg4[%add3A_609, %dma_start3A_617] : memref<32768x1024xf32, #tpu.memory_space<hbm>> -> memref<8x1024xf32, #tpu.memory_space<hbm>>
      %dma_start3A_619 = arith.constant 0 : i32
      %dma_start3A_620 = arith.constant 0 : i32
      %dma_start3A_621 = tpu.memref_slice %arg6[%dma_start3A_610, %dma_start3A_619, %dma_start3A_620] : memref<8x8x1024xf32, #tpu.memory_space<vmem>> -> memref<1x8x1024xf32, #tpu.memory_space<vmem>>
      %dma_start3A_622 = tpu.memref_squeeze %dma_start3A_621 : memref<1x8x1024xf32, #tpu.memory_space<vmem>> -> memref<8x1024xf32, #tpu.memory_space<vmem>>
      tpu.enqueue_dma source(%dma_start3A_622 : memref<8x1024xf32, #tpu.memory_space<vmem>>) target(%dma_start3A_618 : memref<8x1024xf32, #tpu.memory_space<hbm>>) target_semaphore(%arg21 : memref<!tpu.dma_semaphore, #tpu.memory_space<semaphore_mem>>)
      %mul3A_623 = arith.constant 8 : i32
      %mul3A_624 = arith.muli %scan3A_405, %mul3A_623 : i32
      %add3A_625 = arith.constant 7 : i32
      %add3A_626 = arith.addi %mul3A_624, %add3A_625 : i32
      %mul3A_627 = arith.constant 8 : i32
      %mul3A_628 = arith.muli %add3A_626, %mul3A_627 : i32
      %dma_wait3A_629 = arith.constant 7 : i32
      %dma_wait3A_630 = arith.constant 0 : i32
      %dma_wait3A_631 = arith.constant 0 : i32
      %dma_wait3A_632 = tpu.memref_slice %arg6[%dma_wait3A_629, %dma_wait3A_630, %dma_wait3A_631] : memref<8x8x1024xf32, #tpu.memory_space<vmem>> -> memref<1x8x1024xf32, #tpu.memory_space<vmem>>
      %dma_wait3A_633 = tpu.memref_squeeze %dma_wait3A_632 : memref<1x8x1024xf32, #tpu.memory_space<vmem>> -> memref<8x1024xf32, #tpu.memory_space<vmem>>
      %dma_wait3A_634 = tpu.memref_slice %arg5[%mul3A_628] : memref<1024xi32, #tpu.memory_space<vmem>> -> memref<8xi32, #tpu.memory_space<vmem>>
      %dma_wait3A_635 = arith.constant 0 : i32
      %dma_wait3A_636 = arith.constant 0 : i32
      %dma_wait3A_637 = tpu.memref_slice %arg2[%dma_wait3A_635, %dma_wait3A_636] : memref<8192x1024xf32, #tpu.memory_space<hbm>> -> memref<8192x1024xf32, #tpu.memory_space<hbm>>
      tpu.wait_indirect_dma semaphore(%arg14 : memref<!tpu.dma_semaphore, #tpu.memory_space<semaphore_mem>>) src(%dma_wait3A_637 : memref<8192x1024xf32, #tpu.memory_space<hbm>>) dst(%dma_wait3A_633 : memref<8x1024xf32, #tpu.memory_space<vmem>>)
      %mul3A_638 = arith.constant 8 : i32
      %mul3A_639 = arith.muli %add3A_626, %mul3A_638 : i32
      %add3A_640 = arith.addi %mul3A_2, %mul3A_639 : i32
      %dma_start3A_641 = arith.constant 7 : i32
      %dma_start3A_642 = arith.constant 0 : i32
      %dma_start3A_643 = arith.constant 0 : i32
      %dma_start3A_644 = tpu.memref_slice %arg6[%dma_start3A_641, %dma_start3A_642, %dma_start3A_643] : memref<8x8x1024xf32, #tpu.memory_space<vmem>> -> memref<1x8x1024xf32, #tpu.memory_space<vmem>>
      %dma_start3A_645 = tpu.memref_squeeze %dma_start3A_644 : memref<1x8x1024xf32, #tpu.memory_space<vmem>> -> memref<8x1024xf32, #tpu.memory_space<vmem>>
      %dma_start3A_646 = arith.constant 0 : i32
      %dma_start3A_647 = tpu.memref_slice %arg4[%add3A_640, %dma_start3A_646] : memref<32768x1024xf32, #tpu.memory_space<hbm>> -> memref<8x1024xf32, #tpu.memory_space<hbm>>
      %dma_start3A_648 = arith.constant 0 : i32
      %dma_start3A_649 = tpu.memref_slice %arg4[%add3A_640, %dma_start3A_648] : memref<32768x1024xf32, #tpu.memory_space<hbm>> -> memref<8x1024xf32, #tpu.memory_space<hbm>>
      %dma_start3A_650 = arith.constant 0 : i32
      %dma_start3A_651 = arith.constant 0 : i32
      %dma_start3A_652 = tpu.memref_slice %arg6[%dma_start3A_641, %dma_start3A_650, %dma_start3A_651] : memref<8x8x1024xf32, #tpu.memory_space<vmem>> -> memref<1x8x1024xf32, #tpu.memory_space<vmem>>
      %dma_start3A_653 = tpu.memref_squeeze %dma_start3A_652 : memref<1x8x1024xf32, #tpu.memory_space<vmem>> -> memref<8x1024xf32, #tpu.memory_space<vmem>>
      tpu.enqueue_dma source(%dma_start3A_653 : memref<8x1024xf32, #tpu.memory_space<vmem>>) target(%dma_start3A_649 : memref<8x1024xf32, #tpu.memory_space<hbm>>) target_semaphore(%arg22 : memref<!tpu.dma_semaphore, #tpu.memory_space<semaphore_mem>>)
      %mul3A_654 = arith.constant 8 : i32
      %mul3A_655 = arith.muli %scan3A_405, %mul3A_654 : i32
      %add3A_656 = arith.constant 0 : i32
      %add3A_657 = arith.addi %mul3A_655, %add3A_656 : i32
      %mul3A_658 = arith.constant 8 : i32
      %mul3A_659 = arith.muli %add3A_657, %mul3A_658 : i32
      %add3A_660 = arith.addi %mul3A_2, %mul3A_659 : i32
      %dma_wait3A_661 = arith.constant 0 : i32
      %dma_wait3A_662 = arith.constant 0 : i32
      %dma_wait3A_663 = arith.constant 0 : i32
      %dma_wait3A_664 = tpu.memref_slice %arg6[%dma_wait3A_661, %dma_wait3A_662, %dma_wait3A_663] : memref<8x8x1024xf32, #tpu.memory_space<vmem>> -> memref<1x8x1024xf32, #tpu.memory_space<vmem>>
      %dma_wait3A_665 = tpu.memref_squeeze %dma_wait3A_664 : memref<1x8x1024xf32, #tpu.memory_space<vmem>> -> memref<8x1024xf32, #tpu.memory_space<vmem>>
      %dma_wait3A_666 = arith.constant 0 : i32
      %dma_wait3A_667 = tpu.memref_slice %arg4[%add3A_660, %dma_wait3A_666] : memref<32768x1024xf32, #tpu.memory_space<hbm>> -> memref<8x1024xf32, #tpu.memory_space<hbm>>
      %dma_wait3A_668 = arith.constant 0 : i32
      %dma_wait3A_669 = tpu.memref_slice %arg4[%add3A_660, %dma_wait3A_668] : memref<32768x1024xf32, #tpu.memory_space<hbm>> -> memref<8x1024xf32, #tpu.memory_space<hbm>>
      %dma_wait3A_670 = arith.constant 0 : i32
      %dma_wait3A_671 = arith.constant 0 : i32
      %dma_wait3A_672 = tpu.memref_slice %arg6[%dma_wait3A_661, %dma_wait3A_670, %dma_wait3A_671] : memref<8x8x1024xf32, #tpu.memory_space<vmem>> -> memref<1x8x1024xf32, #tpu.memory_space<vmem>>
      %dma_wait3A_673 = tpu.memref_squeeze %dma_wait3A_672 : memref<1x8x1024xf32, #tpu.memory_space<vmem>> -> memref<8x1024xf32, #tpu.memory_space<vmem>>
      tpu.wait_dma2 semaphore(%arg15 : memref<!tpu.dma_semaphore, #tpu.memory_space<semaphore_mem>>) src(%dma_wait3A_673 : memref<8x1024xf32, #tpu.memory_space<vmem>>) dst(%dma_wait3A_669 : memref<8x1024xf32, #tpu.memory_space<hbm>>)
      %add3A_674 = arith.constant 8 : i32
      %add3A_675 = arith.addi %add3A_657, %add3A_674 : i32
      %mul3A_676 = arith.constant 8 : i32
      %mul3A_677 = arith.muli %add3A_675, %mul3A_676 : i32
      %dma_start3A_678 = arith.constant 0 : i32
      %dma_start3A_679 = arith.constant 0 : i32
      %dma_start3A_680 = arith.constant 0 : i32
      %dma_start3A_681 = tpu.memref_slice %arg6[%dma_start3A_678, %dma_start3A_679, %dma_start3A_680] : memref<8x8x1024xf32, #tpu.memory_space<vmem>> -> memref<1x8x1024xf32, #tpu.memory_space<vmem>>
      %dma_start3A_682 = tpu.memref_squeeze %dma_start3A_681 : memref<1x8x1024xf32, #tpu.memory_space<vmem>> -> memref<8x1024xf32, #tpu.memory_space<vmem>>
      %dma_start3A_683 = tpu.memref_slice %arg5[%mul3A_677] : memref<1024xi32, #tpu.memory_space<vmem>> -> memref<8xi32, #tpu.memory_space<vmem>>
      %dma_start3A_684 = arith.constant 0 : i32
      %dma_start3A_685 = arith.constant 0 : i32
      %dma_start3A_686 = tpu.memref_slice %arg2[%dma_start3A_684, %dma_start3A_685] : memref<8192x1024xf32, #tpu.memory_space<hbm>> -> memref<8192x1024xf32, #tpu.memory_space<hbm>>
      tpu.enqueue_indirect_dma source(%dma_start3A_686 : memref<8192x1024xf32, #tpu.memory_space<hbm>>) target(%dma_start3A_682 : memref<8x1024xf32, #tpu.memory_space<vmem>>) offsets(%dma_start3A_683 : memref<8xi32, #tpu.memory_space<vmem>>) semaphore(%arg7 : memref<!tpu.dma_semaphore, #tpu.memory_space<semaphore_mem>>)
      %mul3A_687 = arith.constant 8 : i32
      %mul3A_688 = arith.muli %scan3A_405, %mul3A_687 : i32
      %add3A_689 = arith.constant 1 : i32
      %add3A_690 = arith.addi %mul3A_688, %add3A_689 : i32
      %mul3A_691 = arith.constant 8 : i32
      %mul3A_692 = arith.muli %add3A_690, %mul3A_691 : i32
      %add3A_693 = arith.addi %mul3A_2, %mul3A_692 : i32
      %dma_wait3A_694 = arith.constant 1 : i32
      %dma_wait3A_695 = arith.constant 0 : i32
      %dma_wait3A_696 = arith.constant 0 : i32
      %dma_wait3A_697 = tpu.memref_slice %arg6[%dma_wait3A_694, %dma_wait3A_695, %dma_wait3A_696] : memref<8x8x1024xf32, #tpu.memory_space<vmem>> -> memref<1x8x1024xf32, #tpu.memory_space<vmem>>
      %dma_wait3A_698 = tpu.memref_squeeze %dma_wait3A_697 : memref<1x8x1024xf32, #tpu.memory_space<vmem>> -> memref<8x1024xf32, #tpu.memory_space<vmem>>
      %dma_wait3A_699 = arith.constant 0 : i32
      %dma_wait3A_700 = tpu.memref_slice %arg4[%add3A_693, %dma_wait3A_699] : memref<32768x1024xf32, #tpu.memory_space<hbm>> -> memref<8x1024xf32, #tpu.memory_space<hbm>>
      %dma_wait3A_701 = arith.constant 0 : i32
      %dma_wait3A_702 = tpu.memref_slice %arg4[%add3A_693, %dma_wait3A_701] : memref<32768x1024xf32, #tpu.memory_space<hbm>> -> memref<8x1024xf32, #tpu.memory_space<hbm>>
      %dma_wait3A_703 = arith.constant 0 : i32
      %dma_wait3A_704 = arith.constant 0 : i32
      %dma_wait3A_705 = tpu.memref_slice %arg6[%dma_wait3A_694, %dma_wait3A_703, %dma_wait3A_704] : memref<8x8x1024xf32, #tpu.memory_space<vmem>> -> memref<1x8x1024xf32, #tpu.memory_space<vmem>>
      %dma_wait3A_706 = tpu.memref_squeeze %dma_wait3A_705 : memref<1x8x1024xf32, #tpu.memory_space<vmem>> -> memref<8x1024xf32, #tpu.memory_space<vmem>>
      tpu.wait_dma2 semaphore(%arg16 : memref<!tpu.dma_semaphore, #tpu.memory_space<semaphore_mem>>) src(%dma_wait3A_706 : memref<8x1024xf32, #tpu.memory_space<vmem>>) dst(%dma_wait3A_702 : memref<8x1024xf32, #tpu.memory_space<hbm>>)
      %add3A_707 = arith.constant 8 : i32
      %add3A_708 = arith.addi %add3A_690, %add3A_707 : i32
      %mul3A_709 = arith.constant 8 : i32
      %mul3A_710 = arith.muli %add3A_708, %mul3A_709 : i32
      %dma_start3A_711 = arith.constant 1 : i32
      %dma_start3A_712 = arith.constant 0 : i32
      %dma_start3A_713 = arith.constant 0 : i32
      %dma_start3A_714 = tpu.memref_slice %arg6[%dma_start3A_711, %dma_start3A_712, %dma_start3A_713] : memref<8x8x1024xf32, #tpu.memory_space<vmem>> -> memref<1x8x1024xf32, #tpu.memory_space<vmem>>
      %dma_start3A_715 = tpu.memref_squeeze %dma_start3A_714 : memref<1x8x1024xf32, #tpu.memory_space<vmem>> -> memref<8x1024xf32, #tpu.memory_space<vmem>>
      %dma_start3A_716 = tpu.memref_slice %arg5[%mul3A_710] : memref<1024xi32, #tpu.memory_space<vmem>> -> memref<8xi32, #tpu.memory_space<vmem>>
      %dma_start3A_717 = arith.constant 0 : i32
      %dma_start3A_718 = arith.constant 0 : i32
      %dma_start3A_719 = tpu.memref_slice %arg2[%dma_start3A_717, %dma_start3A_718] : memref<8192x1024xf32, #tpu.memory_space<hbm>> -> memref<8192x1024xf32, #tpu.memory_space<hbm>>
      tpu.enqueue_indirect_dma source(%dma_start3A_719 : memref<8192x1024xf32, #tpu.memory_space<hbm>>) target(%dma_start3A_715 : memref<8x1024xf32, #tpu.memory_space<vmem>>) offsets(%dma_start3A_716 : memref<8xi32, #tpu.memory_space<vmem>>) semaphore(%arg8 : memref<!tpu.dma_semaphore, #tpu.memory_space<semaphore_mem>>)
      %mul3A_720 = arith.constant 8 : i32
      %mul3A_721 = arith.muli %scan3A_405, %mul3A_720 : i32
      %add3A_722 = arith.constant 2 : i32
      %add3A_723 = arith.addi %mul3A_721, %add3A_722 : i32
      %mul3A_724 = arith.constant 8 : i32
      %mul3A_725 = arith.muli %add3A_723, %mul3A_724 : i32
      %add3A_726 = arith.addi %mul3A_2, %mul3A_725 : i32
      %dma_wait3A_727 = arith.constant 2 : i32
      %dma_wait3A_728 = arith.constant 0 : i32
      %dma_wait3A_729 = arith.constant 0 : i32
      %dma_wait3A_730 = tpu.memref_slice %arg6[%dma_wait3A_727, %dma_wait3A_728, %dma_wait3A_729] : memref<8x8x1024xf32, #tpu.memory_space<vmem>> -> memref<1x8x1024xf32, #tpu.memory_space<vmem>>
      %dma_wait3A_731 = tpu.memref_squeeze %dma_wait3A_730 : memref<1x8x1024xf32, #tpu.memory_space<vmem>> -> memref<8x1024xf32, #tpu.memory_space<vmem>>
      %dma_wait3A_732 = arith.constant 0 : i32
      %dma_wait3A_733 = tpu.memref_slice %arg4[%add3A_726, %dma_wait3A_732] : memref<32768x1024xf32, #tpu.memory_space<hbm>> -> memref<8x1024xf32, #tpu.memory_space<hbm>>
      %dma_wait3A_734 = arith.constant 0 : i32
      %dma_wait3A_735 = tpu.memref_slice %arg4[%add3A_726, %dma_wait3A_734] : memref<32768x1024xf32, #tpu.memory_space<hbm>> -> memref<8x1024xf32, #tpu.memory_space<hbm>>
      %dma_wait3A_736 = arith.constant 0 : i32
      %dma_wait3A_737 = arith.constant 0 : i32
      %dma_wait3A_738 = tpu.memref_slice %arg6[%dma_wait3A_727, %dma_wait3A_736, %dma_wait3A_737] : memref<8x8x1024xf32, #tpu.memory_space<vmem>> -> memref<1x8x1024xf32, #tpu.memory_space<vmem>>
      %dma_wait3A_739 = tpu.memref_squeeze %dma_wait3A_738 : memref<1x8x1024xf32, #tpu.memory_space<vmem>> -> memref<8x1024xf32, #tpu.memory_space<vmem>>
      tpu.wait_dma2 semaphore(%arg17 : memref<!tpu.dma_semaphore, #tpu.memory_space<semaphore_mem>>) src(%dma_wait3A_739 : memref<8x1024xf32, #tpu.memory_space<vmem>>) dst(%dma_wait3A_735 : memref<8x1024xf32, #tpu.memory_space<hbm>>)
      %add3A_740 = arith.constant 8 : i32
      %add3A_741 = arith.addi %add3A_723, %add3A_740 : i32
      %mul3A_742 = arith.constant 8 : i32
      %mul3A_743 = arith.muli %add3A_741, %mul3A_742 : i32
      %dma_start3A_744 = arith.constant 2 : i32
      %dma_start3A_745 = arith.constant 0 : i32
      %dma_start3A_746 = arith.constant 0 : i32
      %dma_start3A_747 = tpu.memref_slice %arg6[%dma_start3A_744, %dma_start3A_745, %dma_start3A_746] : memref<8x8x1024xf32, #tpu.memory_space<vmem>> -> memref<1x8x1024xf32, #tpu.memory_space<vmem>>
      %dma_start3A_748 = tpu.memref_squeeze %dma_start3A_747 : memref<1x8x1024xf32, #tpu.memory_space<vmem>> -> memref<8x1024xf32, #tpu.memory_space<vmem>>
      %dma_start3A_749 = tpu.memref_slice %arg5[%mul3A_743] : memref<1024xi32, #tpu.memory_space<vmem>> -> memref<8xi32, #tpu.memory_space<vmem>>
      %dma_start3A_750 = arith.constant 0 : i32
      %dma_start3A_751 = arith.constant 0 : i32
      %dma_start3A_752 = tpu.memref_slice %arg2[%dma_start3A_750, %dma_start3A_751] : memref<8192x1024xf32, #tpu.memory_space<hbm>> -> memref<8192x1024xf32, #tpu.memory_space<hbm>>
      tpu.enqueue_indirect_dma source(%dma_start3A_752 : memref<8192x1024xf32, #tpu.memory_space<hbm>>) target(%dma_start3A_748 : memref<8x1024xf32, #tpu.memory_space<vmem>>) offsets(%dma_start3A_749 : memref<8xi32, #tpu.memory_space<vmem>>) semaphore(%arg9 : memref<!tpu.dma_semaphore, #tpu.memory_space<semaphore_mem>>)
      %mul3A_753 = arith.constant 8 : i32
      %mul3A_754 = arith.muli %scan3A_405, %mul3A_753 : i32
      %add3A_755 = arith.constant 3 : i32
      %add3A_756 = arith.addi %mul3A_754, %add3A_755 : i32
      %mul3A_757 = arith.constant 8 : i32
      %mul3A_758 = arith.muli %add3A_756, %mul3A_757 : i32
      %add3A_759 = arith.addi %mul3A_2, %mul3A_758 : i32
      %dma_wait3A_760 = arith.constant 3 : i32
      %dma_wait3A_761 = arith.constant 0 : i32
      %dma_wait3A_762 = arith.constant 0 : i32
      %dma_wait3A_763 = tpu.memref_slice %arg6[%dma_wait3A_760, %dma_wait3A_761, %dma_wait3A_762] : memref<8x8x1024xf32, #tpu.memory_space<vmem>> -> memref<1x8x1024xf32, #tpu.memory_space<vmem>>
      %dma_wait3A_764 = tpu.memref_squeeze %dma_wait3A_763 : memref<1x8x1024xf32, #tpu.memory_space<vmem>> -> memref<8x1024xf32, #tpu.memory_space<vmem>>
      %dma_wait3A_765 = arith.constant 0 : i32
      %dma_wait3A_766 = tpu.memref_slice %arg4[%add3A_759, %dma_wait3A_765] : memref<32768x1024xf32, #tpu.memory_space<hbm>> -> memref<8x1024xf32, #tpu.memory_space<hbm>>
      %dma_wait3A_767 = arith.constant 0 : i32
      %dma_wait3A_768 = tpu.memref_slice %arg4[%add3A_759, %dma_wait3A_767] : memref<32768x1024xf32, #tpu.memory_space<hbm>> -> memref<8x1024xf32, #tpu.memory_space<hbm>>
      %dma_wait3A_769 = arith.constant 0 : i32
      %dma_wait3A_770 = arith.constant 0 : i32
      %dma_wait3A_771 = tpu.memref_slice %arg6[%dma_wait3A_760, %dma_wait3A_769, %dma_wait3A_770] : memref<8x8x1024xf32, #tpu.memory_space<vmem>> -> memref<1x8x1024xf32, #tpu.memory_space<vmem>>
      %dma_wait3A_772 = tpu.memref_squeeze %dma_wait3A_771 : memref<1x8x1024xf32, #tpu.memory_space<vmem>> -> memref<8x1024xf32, #tpu.memory_space<vmem>>
      tpu.wait_dma2 semaphore(%arg18 : memref<!tpu.dma_semaphore, #tpu.memory_space<semaphore_mem>>) src(%dma_wait3A_772 : memref<8x1024xf32, #tpu.memory_space<vmem>>) dst(%dma_wait3A_768 : memref<8x1024xf32, #tpu.memory_space<hbm>>)
      %add3A_773 = arith.constant 8 : i32
      %add3A_774 = arith.addi %add3A_756, %add3A_773 : i32
      %mul3A_775 = arith.constant 8 : i32
      %mul3A_776 = arith.muli %add3A_774, %mul3A_775 : i32
      %dma_start3A_777 = arith.constant 3 : i32
      %dma_start3A_778 = arith.constant 0 : i32
      %dma_start3A_779 = arith.constant 0 : i32
      %dma_start3A_780 = tpu.memref_slice %arg6[%dma_start3A_777, %dma_start3A_778, %dma_start3A_779] : memref<8x8x1024xf32, #tpu.memory_space<vmem>> -> memref<1x8x1024xf32, #tpu.memory_space<vmem>>
      %dma_start3A_781 = tpu.memref_squeeze %dma_start3A_780 : memref<1x8x1024xf32, #tpu.memory_space<vmem>> -> memref<8x1024xf32, #tpu.memory_space<vmem>>
      %dma_start3A_782 = tpu.memref_slice %arg5[%mul3A_776] : memref<1024xi32, #tpu.memory_space<vmem>> -> memref<8xi32, #tpu.memory_space<vmem>>
      %dma_start3A_783 = arith.constant 0 : i32
      %dma_start3A_784 = arith.constant 0 : i32
      %dma_start3A_785 = tpu.memref_slice %arg2[%dma_start3A_783, %dma_start3A_784] : memref<8192x1024xf32, #tpu.memory_space<hbm>> -> memref<8192x1024xf32, #tpu.memory_space<hbm>>
      tpu.enqueue_indirect_dma source(%dma_start3A_785 : memref<8192x1024xf32, #tpu.memory_space<hbm>>) target(%dma_start3A_781 : memref<8x1024xf32, #tpu.memory_space<vmem>>) offsets(%dma_start3A_782 : memref<8xi32, #tpu.memory_space<vmem>>) semaphore(%arg10 : memref<!tpu.dma_semaphore, #tpu.memory_space<semaphore_mem>>)
      %mul3A_786 = arith.constant 8 : i32
      %mul3A_787 = arith.muli %scan3A_405, %mul3A_786 : i32
      %add3A_788 = arith.constant 4 : i32
      %add3A_789 = arith.addi %mul3A_787, %add3A_788 : i32
      %mul3A_790 = arith.constant 8 : i32
      %mul3A_791 = arith.muli %add3A_789, %mul3A_790 : i32
      %add3A_792 = arith.addi %mul3A_2, %mul3A_791 : i32
      %dma_wait3A_793 = arith.constant 4 : i32
      %dma_wait3A_794 = arith.constant 0 : i32
      %dma_wait3A_795 = arith.constant 0 : i32
      %dma_wait3A_796 = tpu.memref_slice %arg6[%dma_wait3A_793, %dma_wait3A_794, %dma_wait3A_795] : memref<8x8x1024xf32, #tpu.memory_space<vmem>> -> memref<1x8x1024xf32, #tpu.memory_space<vmem>>
      %dma_wait3A_797 = tpu.memref_squeeze %dma_wait3A_796 : memref<1x8x1024xf32, #tpu.memory_space<vmem>> -> memref<8x1024xf32, #tpu.memory_space<vmem>>
      %dma_wait3A_798 = arith.constant 0 : i32
      %dma_wait3A_799 = tpu.memref_slice %arg4[%add3A_792, %dma_wait3A_798] : memref<32768x1024xf32, #tpu.memory_space<hbm>> -> memref<8x1024xf32, #tpu.memory_space<hbm>>
      %dma_wait3A_800 = arith.constant 0 : i32
      %dma_wait3A_801 = tpu.memref_slice %arg4[%add3A_792, %dma_wait3A_800] : memref<32768x1024xf32, #tpu.memory_space<hbm>> -> memref<8x1024xf32, #tpu.memory_space<hbm>>
      %dma_wait3A_802 = arith.constant 0 : i32
      %dma_wait3A_803 = arith.constant 0 : i32
      %dma_wait3A_804 = tpu.memref_slice %arg6[%dma_wait3A_793, %dma_wait3A_802, %dma_wait3A_803] : memref<8x8x1024xf32, #tpu.memory_space<vmem>> -> memref<1x8x1024xf32, #tpu.memory_space<vmem>>
      %dma_wait3A_805 = tpu.memref_squeeze %dma_wait3A_804 : memref<1x8x1024xf32, #tpu.memory_space<vmem>> -> memref<8x1024xf32, #tpu.memory_space<vmem>>
      tpu.wait_dma2 semaphore(%arg19 : memref<!tpu.dma_semaphore, #tpu.memory_space<semaphore_mem>>) src(%dma_wait3A_805 : memref<8x1024xf32, #tpu.memory_space<vmem>>) dst(%dma_wait3A_801 : memref<8x1024xf32, #tpu.memory_space<hbm>>)
      %add3A_806 = arith.constant 8 : i32
      %add3A_807 = arith.addi %add3A_789, %add3A_806 : i32
      %mul3A_808 = arith.constant 8 : i32
      %mul3A_809 = arith.muli %add3A_807, %mul3A_808 : i32
      %dma_start3A_810 = arith.constant 4 : i32
      %dma_start3A_811 = arith.constant 0 : i32
      %dma_start3A_812 = arith.constant 0 : i32
      %dma_start3A_813 = tpu.memref_slice %arg6[%dma_start3A_810, %dma_start3A_811, %dma_start3A_812] : memref<8x8x1024xf32, #tpu.memory_space<vmem>> -> memref<1x8x1024xf32, #tpu.memory_space<vmem>>
      %dma_start3A_814 = tpu.memref_squeeze %dma_start3A_813 : memref<1x8x1024xf32, #tpu.memory_space<vmem>> -> memref<8x1024xf32, #tpu.memory_space<vmem>>
      %dma_start3A_815 = tpu.memref_slice %arg5[%mul3A_809] : memref<1024xi32, #tpu.memory_space<vmem>> -> memref<8xi32, #tpu.memory_space<vmem>>
      %dma_start3A_816 = arith.constant 0 : i32
      %dma_start3A_817 = arith.constant 0 : i32
      %dma_start3A_818 = tpu.memref_slice %arg2[%dma_start3A_816, %dma_start3A_817] : memref<8192x1024xf32, #tpu.memory_space<hbm>> -> memref<8192x1024xf32, #tpu.memory_space<hbm>>
      tpu.enqueue_indirect_dma source(%dma_start3A_818 : memref<8192x1024xf32, #tpu.memory_space<hbm>>) target(%dma_start3A_814 : memref<8x1024xf32, #tpu.memory_space<vmem>>) offsets(%dma_start3A_815 : memref<8xi32, #tpu.memory_space<vmem>>) semaphore(%arg11 : memref<!tpu.dma_semaphore, #tpu.memory_space<semaphore_mem>>)
      %mul3A_819 = arith.constant 8 : i32
      %mul3A_820 = arith.muli %scan3A_405, %mul3A_819 : i32
      %add3A_821 = arith.constant 5 : i32
      %add3A_822 = arith.addi %mul3A_820, %add3A_821 : i32
      %mul3A_823 = arith.constant 8 : i32
      %mul3A_824 = arith.muli %add3A_822, %mul3A_823 : i32
      %add3A_825 = arith.addi %mul3A_2, %mul3A_824 : i32
      %dma_wait3A_826 = arith.constant 5 : i32
      %dma_wait3A_827 = arith.constant 0 : i32
      %dma_wait3A_828 = arith.constant 0 : i32
      %dma_wait3A_829 = tpu.memref_slice %arg6[%dma_wait3A_826, %dma_wait3A_827, %dma_wait3A_828] : memref<8x8x1024xf32, #tpu.memory_space<vmem>> -> memref<1x8x1024xf32, #tpu.memory_space<vmem>>
      %dma_wait3A_830 = tpu.memref_squeeze %dma_wait3A_829 : memref<1x8x1024xf32, #tpu.memory_space<vmem>> -> memref<8x1024xf32, #tpu.memory_space<vmem>>
      %dma_wait3A_831 = arith.constant 0 : i32
      %dma_wait3A_832 = tpu.memref_slice %arg4[%add3A_825, %dma_wait3A_831] : memref<32768x1024xf32, #tpu.memory_space<hbm>> -> memref<8x1024xf32, #tpu.memory_space<hbm>>
      %dma_wait3A_833 = arith.constant 0 : i32
      %dma_wait3A_834 = tpu.memref_slice %arg4[%add3A_825, %dma_wait3A_833] : memref<32768x1024xf32, #tpu.memory_space<hbm>> -> memref<8x1024xf32, #tpu.memory_space<hbm>>
      %dma_wait3A_835 = arith.constant 0 : i32
      %dma_wait3A_836 = arith.constant 0 : i32
      %dma_wait3A_837 = tpu.memref_slice %arg6[%dma_wait3A_826, %dma_wait3A_835, %dma_wait3A_836] : memref<8x8x1024xf32, #tpu.memory_space<vmem>> -> memref<1x8x1024xf32, #tpu.memory_space<vmem>>
      %dma_wait3A_838 = tpu.memref_squeeze %dma_wait3A_837 : memref<1x8x1024xf32, #tpu.memory_space<vmem>> -> memref<8x1024xf32, #tpu.memory_space<vmem>>
      tpu.wait_dma2 semaphore(%arg20 : memref<!tpu.dma_semaphore, #tpu.memory_space<semaphore_mem>>) src(%dma_wait3A_838 : memref<8x1024xf32, #tpu.memory_space<vmem>>) dst(%dma_wait3A_834 : memref<8x1024xf32, #tpu.memory_space<hbm>>)
      %add3A_839 = arith.constant 8 : i32
      %add3A_840 = arith.addi %add3A_822, %add3A_839 : i32
      %mul3A_841 = arith.constant 8 : i32
      %mul3A_842 = arith.muli %add3A_840, %mul3A_841 : i32
      %dma_start3A_843 = arith.constant 5 : i32
      %dma_start3A_844 = arith.constant 0 : i32
      %dma_start3A_845 = arith.constant 0 : i32
      %dma_start3A_846 = tpu.memref_slice %arg6[%dma_start3A_843, %dma_start3A_844, %dma_start3A_845] : memref<8x8x1024xf32, #tpu.memory_space<vmem>> -> memref<1x8x1024xf32, #tpu.memory_space<vmem>>
      %dma_start3A_847 = tpu.memref_squeeze %dma_start3A_846 : memref<1x8x1024xf32, #tpu.memory_space<vmem>> -> memref<8x1024xf32, #tpu.memory_space<vmem>>
      %dma_start3A_848 = tpu.memref_slice %arg5[%mul3A_842] : memref<1024xi32, #tpu.memory_space<vmem>> -> memref<8xi32, #tpu.memory_space<vmem>>
      %dma_start3A_849 = arith.constant 0 : i32
      %dma_start3A_850 = arith.constant 0 : i32
      %dma_start3A_851 = tpu.memref_slice %arg2[%dma_start3A_849, %dma_start3A_850] : memref<8192x1024xf32, #tpu.memory_space<hbm>> -> memref<8192x1024xf32, #tpu.memory_space<hbm>>
      tpu.enqueue_indirect_dma source(%dma_start3A_851 : memref<8192x1024xf32, #tpu.memory_space<hbm>>) target(%dma_start3A_847 : memref<8x1024xf32, #tpu.memory_space<vmem>>) offsets(%dma_start3A_848 : memref<8xi32, #tpu.memory_space<vmem>>) semaphore(%arg12 : memref<!tpu.dma_semaphore, #tpu.memory_space<semaphore_mem>>)
      %mul3A_852 = arith.constant 8 : i32
      %mul3A_853 = arith.muli %scan3A_405, %mul3A_852 : i32
      %add3A_854 = arith.constant 6 : i32
      %add3A_855 = arith.addi %mul3A_853, %add3A_854 : i32
      %mul3A_856 = arith.constant 8 : i32
      %mul3A_857 = arith.muli %add3A_855, %mul3A_856 : i32
      %add3A_858 = arith.addi %mul3A_2, %mul3A_857 : i32
      %dma_wait3A_859 = arith.constant 6 : i32
      %dma_wait3A_860 = arith.constant 0 : i32
      %dma_wait3A_861 = arith.constant 0 : i32
      %dma_wait3A_862 = tpu.memref_slice %arg6[%dma_wait3A_859, %dma_wait3A_860, %dma_wait3A_861] : memref<8x8x1024xf32, #tpu.memory_space<vmem>> -> memref<1x8x1024xf32, #tpu.memory_space<vmem>>
      %dma_wait3A_863 = tpu.memref_squeeze %dma_wait3A_862 : memref<1x8x1024xf32, #tpu.memory_space<vmem>> -> memref<8x1024xf32, #tpu.memory_space<vmem>>
      %dma_wait3A_864 = arith.constant 0 : i32
      %dma_wait3A_865 = tpu.memref_slice %arg4[%add3A_858, %dma_wait3A_864] : memref<32768x1024xf32, #tpu.memory_space<hbm>> -> memref<8x1024xf32, #tpu.memory_space<hbm>>
      %dma_wait3A_866 = arith.constant 0 : i32
      %dma_wait3A_867 = tpu.memref_slice %arg4[%add3A_858, %dma_wait3A_866] : memref<32768x1024xf32, #tpu.memory_space<hbm>> -> memref<8x1024xf32, #tpu.memory_space<hbm>>
      %dma_wait3A_868 = arith.constant 0 : i32
      %dma_wait3A_869 = arith.constant 0 : i32
      %dma_wait3A_870 = tpu.memref_slice %arg6[%dma_wait3A_859, %dma_wait3A_868, %dma_wait3A_869] : memref<8x8x1024xf32, #tpu.memory_space<vmem>> -> memref<1x8x1024xf32, #tpu.memory_space<vmem>>
      %dma_wait3A_871 = tpu.memref_squeeze %dma_wait3A_870 : memref<1x8x1024xf32, #tpu.memory_space<vmem>> -> memref<8x1024xf32, #tpu.memory_space<vmem>>
      tpu.wait_dma2 semaphore(%arg21 : memref<!tpu.dma_semaphore, #tpu.memory_space<semaphore_mem>>) src(%dma_wait3A_871 : memref<8x1024xf32, #tpu.memory_space<vmem>>) dst(%dma_wait3A_867 : memref<8x1024xf32, #tpu.memory_space<hbm>>)
      %add3A_872 = arith.constant 8 : i32
      %add3A_873 = arith.addi %add3A_855, %add3A_872 : i32
      %mul3A_874 = arith.constant 8 : i32
      %mul3A_875 = arith.muli %add3A_873, %mul3A_874 : i32
      %dma_start3A_876 = arith.constant 6 : i32
      %dma_start3A_877 = arith.constant 0 : i32
      %dma_start3A_878 = arith.constant 0 : i32
      %dma_start3A_879 = tpu.memref_slice %arg6[%dma_start3A_876, %dma_start3A_877, %dma_start3A_878] : memref<8x8x1024xf32, #tpu.memory_space<vmem>> -> memref<1x8x1024xf32, #tpu.memory_space<vmem>>
      %dma_start3A_880 = tpu.memref_squeeze %dma_start3A_879 : memref<1x8x1024xf32, #tpu.memory_space<vmem>> -> memref<8x1024xf32, #tpu.memory_space<vmem>>
      %dma_start3A_881 = tpu.memref_slice %arg5[%mul3A_875] : memref<1024xi32, #tpu.memory_space<vmem>> -> memref<8xi32, #tpu.memory_space<vmem>>
      %dma_start3A_882 = arith.constant 0 : i32
      %dma_start3A_883 = arith.constant 0 : i32
      %dma_start3A_884 = tpu.memref_slice %arg2[%dma_start3A_882, %dma_start3A_883] : memref<8192x1024xf32, #tpu.memory_space<hbm>> -> memref<8192x1024xf32, #tpu.memory_space<hbm>>
      tpu.enqueue_indirect_dma source(%dma_start3A_884 : memref<8192x1024xf32, #tpu.memory_space<hbm>>) target(%dma_start3A_880 : memref<8x1024xf32, #tpu.memory_space<vmem>>) offsets(%dma_start3A_881 : memref<8xi32, #tpu.memory_space<vmem>>) semaphore(%arg13 : memref<!tpu.dma_semaphore, #tpu.memory_space<semaphore_mem>>)
      %mul3A_885 = arith.constant 8 : i32
      %mul3A_886 = arith.muli %scan3A_405, %mul3A_885 : i32
      %add3A_887 = arith.constant 7 : i32
      %add3A_888 = arith.addi %mul3A_886, %add3A_887 : i32
      %mul3A_889 = arith.constant 8 : i32
      %mul3A_890 = arith.muli %add3A_888, %mul3A_889 : i32
      %add3A_891 = arith.addi %mul3A_2, %mul3A_890 : i32
      %dma_wait3A_892 = arith.constant 7 : i32
      %dma_wait3A_893 = arith.constant 0 : i32
      %dma_wait3A_894 = arith.constant 0 : i32
      %dma_wait3A_895 = tpu.memref_slice %arg6[%dma_wait3A_892, %dma_wait3A_893, %dma_wait3A_894] : memref<8x8x1024xf32, #tpu.memory_space<vmem>> -> memref<1x8x1024xf32, #tpu.memory_space<vmem>>
      %dma_wait3A_896 = tpu.memref_squeeze %dma_wait3A_895 : memref<1x8x1024xf32, #tpu.memory_space<vmem>> -> memref<8x1024xf32, #tpu.memory_space<vmem>>
      %dma_wait3A_897 = arith.constant 0 : i32
      %dma_wait3A_898 = tpu.memref_slice %arg4[%add3A_891, %dma_wait3A_897] : memref<32768x1024xf32, #tpu.memory_space<hbm>> -> memref<8x1024xf32, #tpu.memory_space<hbm>>
      %dma_wait3A_899 = arith.constant 0 : i32
      %dma_wait3A_900 = tpu.memref_slice %arg4[%add3A_891, %dma_wait3A_899] : memref<32768x1024xf32, #tpu.memory_space<hbm>> -> memref<8x1024xf32, #tpu.memory_space<hbm>>
      %dma_wait3A_901 = arith.constant 0 : i32
      %dma_wait3A_902 = arith.constant 0 : i32
      %dma_wait3A_903 = tpu.memref_slice %arg6[%dma_wait3A_892, %dma_wait3A_901, %dma_wait3A_902] : memref<8x8x1024xf32, #tpu.memory_space<vmem>> -> memref<1x8x1024xf32, #tpu.memory_space<vmem>>
      %dma_wait3A_904 = tpu.memref_squeeze %dma_wait3A_903 : memref<1x8x1024xf32, #tpu.memory_space<vmem>> -> memref<8x1024xf32, #tpu.memory_space<vmem>>
      tpu.wait_dma2 semaphore(%arg22 : memref<!tpu.dma_semaphore, #tpu.memory_space<semaphore_mem>>) src(%dma_wait3A_904 : memref<8x1024xf32, #tpu.memory_space<vmem>>) dst(%dma_wait3A_900 : memref<8x1024xf32, #tpu.memory_space<hbm>>)
      %add3A_905 = arith.constant 8 : i32
      %add3A_906 = arith.addi %add3A_888, %add3A_905 : i32
      %mul3A_907 = arith.constant 8 : i32
      %mul3A_908 = arith.muli %add3A_906, %mul3A_907 : i32
      %dma_start3A_909 = arith.constant 7 : i32
      %dma_start3A_910 = arith.constant 0 : i32
      %dma_start3A_911 = arith.constant 0 : i32
      %dma_start3A_912 = tpu.memref_slice %arg6[%dma_start3A_909, %dma_start3A_910, %dma_start3A_911] : memref<8x8x1024xf32, #tpu.memory_space<vmem>> -> memref<1x8x1024xf32, #tpu.memory_space<vmem>>
      %dma_start3A_913 = tpu.memref_squeeze %dma_start3A_912 : memref<1x8x1024xf32, #tpu.memory_space<vmem>> -> memref<8x1024xf32, #tpu.memory_space<vmem>>
      %dma_start3A_914 = tpu.memref_slice %arg5[%mul3A_908] : memref<1024xi32, #tpu.memory_space<vmem>> -> memref<8xi32, #tpu.memory_space<vmem>>
      %dma_start3A_915 = arith.constant 0 : i32
      %dma_start3A_916 = arith.constant 0 : i32
      %dma_start3A_917 = tpu.memref_slice %arg2[%dma_start3A_915, %dma_start3A_916] : memref<8192x1024xf32, #tpu.memory_space<hbm>> -> memref<8192x1024xf32, #tpu.memory_space<hbm>>
      tpu.enqueue_indirect_dma source(%dma_start3A_917 : memref<8192x1024xf32, #tpu.memory_space<hbm>>) target(%dma_start3A_913 : memref<8x1024xf32, #tpu.memory_space<vmem>>) offsets(%dma_start3A_914 : memref<8xi32, #tpu.memory_space<vmem>>) semaphore(%arg14 : memref<!tpu.dma_semaphore, #tpu.memory_space<semaphore_mem>>)
    }
    %scan3A_85 = arith.constant 15 : i32
    %dma_wait3A = arith.constant 0 : i32
    %dma_wait3A_86 = arith.constant 0 : i32
    %dma_wait3A_87 = arith.constant 0 : i32
    %dma_wait3A_88 = tpu.memref_slice %arg6[%dma_wait3A, %dma_wait3A_86, %dma_wait3A_87] : memref<8x8x1024xf32, #tpu.memory_space<vmem>> -> memref<1x8x1024xf32, #tpu.memory_space<vmem>>
    %dma_wait3A_89 = tpu.memref_squeeze %dma_wait3A_88 : memref<1x8x1024xf32, #tpu.memory_space<vmem>> -> memref<8x1024xf32, #tpu.memory_space<vmem>>
    %dma_wait3A_90 = arith.constant 960 : i32
    %dma_wait3A_91 = tpu.memref_slice %arg5[%dma_wait3A_90] : memref<1024xi32, #tpu.memory_space<vmem>> -> memref<8xi32, #tpu.memory_space<vmem>>
    %dma_wait3A_92 = arith.constant 0 : i32
    %dma_wait3A_93 = arith.constant 0 : i32
    %dma_wait3A_94 = tpu.memref_slice %arg2[%dma_wait3A_92, %dma_wait3A_93] : memref<8192x1024xf32, #tpu.memory_space<hbm>> -> memref<8192x1024xf32, #tpu.memory_space<hbm>>
    tpu.wait_indirect_dma semaphore(%arg7 : memref<!tpu.dma_semaphore, #tpu.memory_space<semaphore_mem>>) src(%dma_wait3A_94 : memref<8192x1024xf32, #tpu.memory_space<hbm>>) dst(%dma_wait3A_89 : memref<8x1024xf32, #tpu.memory_space<vmem>>)
    %add3A_95 = arith.constant 960 : i32
    %add3A_96 = arith.addi %mul3A_2, %add3A_95 : i32
    %dma_start3A_97 = arith.constant 0 : i32
    %dma_start3A_98 = arith.constant 0 : i32
    %dma_start3A_99 = arith.constant 0 : i32
    %dma_start3A_100 = tpu.memref_slice %arg6[%dma_start3A_97, %dma_start3A_98, %dma_start3A_99] : memref<8x8x1024xf32, #tpu.memory_space<vmem>> -> memref<1x8x1024xf32, #tpu.memory_space<vmem>>
    %dma_start3A_101 = tpu.memref_squeeze %dma_start3A_100 : memref<1x8x1024xf32, #tpu.memory_space<vmem>> -> memref<8x1024xf32, #tpu.memory_space<vmem>>
    %dma_start3A_102 = arith.constant 0 : i32
    %dma_start3A_103 = tpu.memref_slice %arg4[%add3A_96, %dma_start3A_102] : memref<32768x1024xf32, #tpu.memory_space<hbm>> -> memref<8x1024xf32, #tpu.memory_space<hbm>>
    %dma_start3A_104 = arith.constant 0 : i32
    %dma_start3A_105 = tpu.memref_slice %arg4[%add3A_96, %dma_start3A_104] : memref<32768x1024xf32, #tpu.memory_space<hbm>> -> memref<8x1024xf32, #tpu.memory_space<hbm>>
    %dma_start3A_106 = arith.constant 0 : i32
    %dma_start3A_107 = arith.constant 0 : i32
    %dma_start3A_108 = tpu.memref_slice %arg6[%dma_start3A_97, %dma_start3A_106, %dma_start3A_107] : memref<8x8x1024xf32, #tpu.memory_space<vmem>> -> memref<1x8x1024xf32, #tpu.memory_space<vmem>>
    %dma_start3A_109 = tpu.memref_squeeze %dma_start3A_108 : memref<1x8x1024xf32, #tpu.memory_space<vmem>> -> memref<8x1024xf32, #tpu.memory_space<vmem>>
    tpu.enqueue_dma source(%dma_start3A_109 : memref<8x1024xf32, #tpu.memory_space<vmem>>) target(%dma_start3A_105 : memref<8x1024xf32, #tpu.memory_space<hbm>>) target_semaphore(%arg15 : memref<!tpu.dma_semaphore, #tpu.memory_space<semaphore_mem>>)
    %dma_wait3A_110 = arith.constant 1 : i32
    %dma_wait3A_111 = arith.constant 0 : i32
    %dma_wait3A_112 = arith.constant 0 : i32
    %dma_wait3A_113 = tpu.memref_slice %arg6[%dma_wait3A_110, %dma_wait3A_111, %dma_wait3A_112] : memref<8x8x1024xf32, #tpu.memory_space<vmem>> -> memref<1x8x1024xf32, #tpu.memory_space<vmem>>
    %dma_wait3A_114 = tpu.memref_squeeze %dma_wait3A_113 : memref<1x8x1024xf32, #tpu.memory_space<vmem>> -> memref<8x1024xf32, #tpu.memory_space<vmem>>
    %dma_wait3A_115 = arith.constant 968 : i32
    %dma_wait3A_116 = tpu.memref_slice %arg5[%dma_wait3A_115] : memref<1024xi32, #tpu.memory_space<vmem>> -> memref<8xi32, #tpu.memory_space<vmem>>
    %dma_wait3A_117 = arith.constant 0 : i32
    %dma_wait3A_118 = arith.constant 0 : i32
    %dma_wait3A_119 = tpu.memref_slice %arg2[%dma_wait3A_117, %dma_wait3A_118] : memref<8192x1024xf32, #tpu.memory_space<hbm>> -> memref<8192x1024xf32, #tpu.memory_space<hbm>>
    tpu.wait_indirect_dma semaphore(%arg8 : memref<!tpu.dma_semaphore, #tpu.memory_space<semaphore_mem>>) src(%dma_wait3A_119 : memref<8192x1024xf32, #tpu.memory_space<hbm>>) dst(%dma_wait3A_114 : memref<8x1024xf32, #tpu.memory_space<vmem>>)
    %add3A_120 = arith.constant 968 : i32
    %add3A_121 = arith.addi %mul3A_2, %add3A_120 : i32
    %dma_start3A_122 = arith.constant 1 : i32
    %dma_start3A_123 = arith.constant 0 : i32
    %dma_start3A_124 = arith.constant 0 : i32
    %dma_start3A_125 = tpu.memref_slice %arg6[%dma_start3A_122, %dma_start3A_123, %dma_start3A_124] : memref<8x8x1024xf32, #tpu.memory_space<vmem>> -> memref<1x8x1024xf32, #tpu.memory_space<vmem>>
    %dma_start3A_126 = tpu.memref_squeeze %dma_start3A_125 : memref<1x8x1024xf32, #tpu.memory_space<vmem>> -> memref<8x1024xf32, #tpu.memory_space<vmem>>
    %dma_start3A_127 = arith.constant 0 : i32
    %dma_start3A_128 = tpu.memref_slice %arg4[%add3A_121, %dma_start3A_127] : memref<32768x1024xf32, #tpu.memory_space<hbm>> -> memref<8x1024xf32, #tpu.memory_space<hbm>>
    %dma_start3A_129 = arith.constant 0 : i32
    %dma_start3A_130 = tpu.memref_slice %arg4[%add3A_121, %dma_start3A_129] : memref<32768x1024xf32, #tpu.memory_space<hbm>> -> memref<8x1024xf32, #tpu.memory_space<hbm>>
    %dma_start3A_131 = arith.constant 0 : i32
    %dma_start3A_132 = arith.constant 0 : i32
    %dma_start3A_133 = tpu.memref_slice %arg6[%dma_start3A_122, %dma_start3A_131, %dma_start3A_132] : memref<8x8x1024xf32, #tpu.memory_space<vmem>> -> memref<1x8x1024xf32, #tpu.memory_space<vmem>>
    %dma_start3A_134 = tpu.memref_squeeze %dma_start3A_133 : memref<1x8x1024xf32, #tpu.memory_space<vmem>> -> memref<8x1024xf32, #tpu.memory_space<vmem>>
    tpu.enqueue_dma source(%dma_start3A_134 : memref<8x1024xf32, #tpu.memory_space<vmem>>) target(%dma_start3A_130 : memref<8x1024xf32, #tpu.memory_space<hbm>>) target_semaphore(%arg16 : memref<!tpu.dma_semaphore, #tpu.memory_space<semaphore_mem>>)
    %dma_wait3A_135 = arith.constant 2 : i32
    %dma_wait3A_136 = arith.constant 0 : i32
    %dma_wait3A_137 = arith.constant 0 : i32
    %dma_wait3A_138 = tpu.memref_slice %arg6[%dma_wait3A_135, %dma_wait3A_136, %dma_wait3A_137] : memref<8x8x1024xf32, #tpu.memory_space<vmem>> -> memref<1x8x1024xf32, #tpu.memory_space<vmem>>
    %dma_wait3A_139 = tpu.memref_squeeze %dma_wait3A_138 : memref<1x8x1024xf32, #tpu.memory_space<vmem>> -> memref<8x1024xf32, #tpu.memory_space<vmem>>
    %dma_wait3A_140 = arith.constant 976 : i32
    %dma_wait3A_141 = tpu.memref_slice %arg5[%dma_wait3A_140] : memref<1024xi32, #tpu.memory_space<vmem>> -> memref<8xi32, #tpu.memory_space<vmem>>
    %dma_wait3A_142 = arith.constant 0 : i32
    %dma_wait3A_143 = arith.constant 0 : i32
    %dma_wait3A_144 = tpu.memref_slice %arg2[%dma_wait3A_142, %dma_wait3A_143] : memref<8192x1024xf32, #tpu.memory_space<hbm>> -> memref<8192x1024xf32, #tpu.memory_space<hbm>>
    tpu.wait_indirect_dma semaphore(%arg9 : memref<!tpu.dma_semaphore, #tpu.memory_space<semaphore_mem>>) src(%dma_wait3A_144 : memref<8192x1024xf32, #tpu.memory_space<hbm>>) dst(%dma_wait3A_139 : memref<8x1024xf32, #tpu.memory_space<vmem>>)
    %add3A_145 = arith.constant 976 : i32
    %add3A_146 = arith.addi %mul3A_2, %add3A_145 : i32
    %dma_start3A_147 = arith.constant 2 : i32
    %dma_start3A_148 = arith.constant 0 : i32
    %dma_start3A_149 = arith.constant 0 : i32
    %dma_start3A_150 = tpu.memref_slice %arg6[%dma_start3A_147, %dma_start3A_148, %dma_start3A_149] : memref<8x8x1024xf32, #tpu.memory_space<vmem>> -> memref<1x8x1024xf32, #tpu.memory_space<vmem>>
    %dma_start3A_151 = tpu.memref_squeeze %dma_start3A_150 : memref<1x8x1024xf32, #tpu.memory_space<vmem>> -> memref<8x1024xf32, #tpu.memory_space<vmem>>
    %dma_start3A_152 = arith.constant 0 : i32
    %dma_start3A_153 = tpu.memref_slice %arg4[%add3A_146, %dma_start3A_152] : memref<32768x1024xf32, #tpu.memory_space<hbm>> -> memref<8x1024xf32, #tpu.memory_space<hbm>>
    %dma_start3A_154 = arith.constant 0 : i32
    %dma_start3A_155 = tpu.memref_slice %arg4[%add3A_146, %dma_start3A_154] : memref<32768x1024xf32, #tpu.memory_space<hbm>> -> memref<8x1024xf32, #tpu.memory_space<hbm>>
    %dma_start3A_156 = arith.constant 0 : i32
    %dma_start3A_157 = arith.constant 0 : i32
    %dma_start3A_158 = tpu.memref_slice %arg6[%dma_start3A_147, %dma_start3A_156, %dma_start3A_157] : memref<8x8x1024xf32, #tpu.memory_space<vmem>> -> memref<1x8x1024xf32, #tpu.memory_space<vmem>>
    %dma_start3A_159 = tpu.memref_squeeze %dma_start3A_158 : memref<1x8x1024xf32, #tpu.memory_space<vmem>> -> memref<8x1024xf32, #tpu.memory_space<vmem>>
    tpu.enqueue_dma source(%dma_start3A_159 : memref<8x1024xf32, #tpu.memory_space<vmem>>) target(%dma_start3A_155 : memref<8x1024xf32, #tpu.memory_space<hbm>>) target_semaphore(%arg17 : memref<!tpu.dma_semaphore, #tpu.memory_space<semaphore_mem>>)
    %dma_wait3A_160 = arith.constant 3 : i32
    %dma_wait3A_161 = arith.constant 0 : i32
    %dma_wait3A_162 = arith.constant 0 : i32
    %dma_wait3A_163 = tpu.memref_slice %arg6[%dma_wait3A_160, %dma_wait3A_161, %dma_wait3A_162] : memref<8x8x1024xf32, #tpu.memory_space<vmem>> -> memref<1x8x1024xf32, #tpu.memory_space<vmem>>
    %dma_wait3A_164 = tpu.memref_squeeze %dma_wait3A_163 : memref<1x8x1024xf32, #tpu.memory_space<vmem>> -> memref<8x1024xf32, #tpu.memory_space<vmem>>
    %dma_wait3A_165 = arith.constant 984 : i32
    %dma_wait3A_166 = tpu.memref_slice %arg5[%dma_wait3A_165] : memref<1024xi32, #tpu.memory_space<vmem>> -> memref<8xi32, #tpu.memory_space<vmem>>
    %dma_wait3A_167 = arith.constant 0 : i32
    %dma_wait3A_168 = arith.constant 0 : i32
    %dma_wait3A_169 = tpu.memref_slice %arg2[%dma_wait3A_167, %dma_wait3A_168] : memref<8192x1024xf32, #tpu.memory_space<hbm>> -> memref<8192x1024xf32, #tpu.memory_space<hbm>>
    tpu.wait_indirect_dma semaphore(%arg10 : memref<!tpu.dma_semaphore, #tpu.memory_space<semaphore_mem>>) src(%dma_wait3A_169 : memref<8192x1024xf32, #tpu.memory_space<hbm>>) dst(%dma_wait3A_164 : memref<8x1024xf32, #tpu.memory_space<vmem>>)
    %add3A_170 = arith.constant 984 : i32
    %add3A_171 = arith.addi %mul3A_2, %add3A_170 : i32
    %dma_start3A_172 = arith.constant 3 : i32
    %dma_start3A_173 = arith.constant 0 : i32
    %dma_start3A_174 = arith.constant 0 : i32
    %dma_start3A_175 = tpu.memref_slice %arg6[%dma_start3A_172, %dma_start3A_173, %dma_start3A_174] : memref<8x8x1024xf32, #tpu.memory_space<vmem>> -> memref<1x8x1024xf32, #tpu.memory_space<vmem>>
    %dma_start3A_176 = tpu.memref_squeeze %dma_start3A_175 : memref<1x8x1024xf32, #tpu.memory_space<vmem>> -> memref<8x1024xf32, #tpu.memory_space<vmem>>
    %dma_start3A_177 = arith.constant 0 : i32
    %dma_start3A_178 = tpu.memref_slice %arg4[%add3A_171, %dma_start3A_177] : memref<32768x1024xf32, #tpu.memory_space<hbm>> -> memref<8x1024xf32, #tpu.memory_space<hbm>>
    %dma_start3A_179 = arith.constant 0 : i32
    %dma_start3A_180 = tpu.memref_slice %arg4[%add3A_171, %dma_start3A_179] : memref<32768x1024xf32, #tpu.memory_space<hbm>> -> memref<8x1024xf32, #tpu.memory_space<hbm>>
    %dma_start3A_181 = arith.constant 0 : i32
    %dma_start3A_182 = arith.constant 0 : i32
    %dma_start3A_183 = tpu.memref_slice %arg6[%dma_start3A_172, %dma_start3A_181, %dma_start3A_182] : memref<8x8x1024xf32, #tpu.memory_space<vmem>> -> memref<1x8x1024xf32, #tpu.memory_space<vmem>>
    %dma_start3A_184 = tpu.memref_squeeze %dma_start3A_183 : memref<1x8x1024xf32, #tpu.memory_space<vmem>> -> memref<8x1024xf32, #tpu.memory_space<vmem>>
    tpu.enqueue_dma source(%dma_start3A_184 : memref<8x1024xf32, #tpu.memory_space<vmem>>) target(%dma_start3A_180 : memref<8x1024xf32, #tpu.memory_space<hbm>>) target_semaphore(%arg18 : memref<!tpu.dma_semaphore, #tpu.memory_space<semaphore_mem>>)
    %dma_wait3A_185 = arith.constant 4 : i32
    %dma_wait3A_186 = arith.constant 0 : i32
    %dma_wait3A_187 = arith.constant 0 : i32
    %dma_wait3A_188 = tpu.memref_slice %arg6[%dma_wait3A_185, %dma_wait3A_186, %dma_wait3A_187] : memref<8x8x1024xf32, #tpu.memory_space<vmem>> -> memref<1x8x1024xf32, #tpu.memory_space<vmem>>
    %dma_wait3A_189 = tpu.memref_squeeze %dma_wait3A_188 : memref<1x8x1024xf32, #tpu.memory_space<vmem>> -> memref<8x1024xf32, #tpu.memory_space<vmem>>
    %dma_wait3A_190 = arith.constant 992 : i32
    %dma_wait3A_191 = tpu.memref_slice %arg5[%dma_wait3A_190] : memref<1024xi32, #tpu.memory_space<vmem>> -> memref<8xi32, #tpu.memory_space<vmem>>
    %dma_wait3A_192 = arith.constant 0 : i32
    %dma_wait3A_193 = arith.constant 0 : i32
    %dma_wait3A_194 = tpu.memref_slice %arg2[%dma_wait3A_192, %dma_wait3A_193] : memref<8192x1024xf32, #tpu.memory_space<hbm>> -> memref<8192x1024xf32, #tpu.memory_space<hbm>>
    tpu.wait_indirect_dma semaphore(%arg11 : memref<!tpu.dma_semaphore, #tpu.memory_space<semaphore_mem>>) src(%dma_wait3A_194 : memref<8192x1024xf32, #tpu.memory_space<hbm>>) dst(%dma_wait3A_189 : memref<8x1024xf32, #tpu.memory_space<vmem>>)
    %add3A_195 = arith.constant 992 : i32
    %add3A_196 = arith.addi %mul3A_2, %add3A_195 : i32
    %dma_start3A_197 = arith.constant 4 : i32
    %dma_start3A_198 = arith.constant 0 : i32
    %dma_start3A_199 = arith.constant 0 : i32
    %dma_start3A_200 = tpu.memref_slice %arg6[%dma_start3A_197, %dma_start3A_198, %dma_start3A_199] : memref<8x8x1024xf32, #tpu.memory_space<vmem>> -> memref<1x8x1024xf32, #tpu.memory_space<vmem>>
    %dma_start3A_201 = tpu.memref_squeeze %dma_start3A_200 : memref<1x8x1024xf32, #tpu.memory_space<vmem>> -> memref<8x1024xf32, #tpu.memory_space<vmem>>
    %dma_start3A_202 = arith.constant 0 : i32
    %dma_start3A_203 = tpu.memref_slice %arg4[%add3A_196, %dma_start3A_202] : memref<32768x1024xf32, #tpu.memory_space<hbm>> -> memref<8x1024xf32, #tpu.memory_space<hbm>>
    %dma_start3A_204 = arith.constant 0 : i32
    %dma_start3A_205 = tpu.memref_slice %arg4[%add3A_196, %dma_start3A_204] : memref<32768x1024xf32, #tpu.memory_space<hbm>> -> memref<8x1024xf32, #tpu.memory_space<hbm>>
    %dma_start3A_206 = arith.constant 0 : i32
    %dma_start3A_207 = arith.constant 0 : i32
    %dma_start3A_208 = tpu.memref_slice %arg6[%dma_start3A_197, %dma_start3A_206, %dma_start3A_207] : memref<8x8x1024xf32, #tpu.memory_space<vmem>> -> memref<1x8x1024xf32, #tpu.memory_space<vmem>>
    %dma_start3A_209 = tpu.memref_squeeze %dma_start3A_208 : memref<1x8x1024xf32, #tpu.memory_space<vmem>> -> memref<8x1024xf32, #tpu.memory_space<vmem>>
    tpu.enqueue_dma source(%dma_start3A_209 : memref<8x1024xf32, #tpu.memory_space<vmem>>) target(%dma_start3A_205 : memref<8x1024xf32, #tpu.memory_space<hbm>>) target_semaphore(%arg19 : memref<!tpu.dma_semaphore, #tpu.memory_space<semaphore_mem>>)
    %dma_wait3A_210 = arith.constant 5 : i32
    %dma_wait3A_211 = arith.constant 0 : i32
    %dma_wait3A_212 = arith.constant 0 : i32
    %dma_wait3A_213 = tpu.memref_slice %arg6[%dma_wait3A_210, %dma_wait3A_211, %dma_wait3A_212] : memref<8x8x1024xf32, #tpu.memory_space<vmem>> -> memref<1x8x1024xf32, #tpu.memory_space<vmem>>
    %dma_wait3A_214 = tpu.memref_squeeze %dma_wait3A_213 : memref<1x8x1024xf32, #tpu.memory_space<vmem>> -> memref<8x1024xf32, #tpu.memory_space<vmem>>
    %dma_wait3A_215 = arith.constant 1000 : i32
    %dma_wait3A_216 = tpu.memref_slice %arg5[%dma_wait3A_215] : memref<1024xi32, #tpu.memory_space<vmem>> -> memref<8xi32, #tpu.memory_space<vmem>>
    %dma_wait3A_217 = arith.constant 0 : i32
    %dma_wait3A_218 = arith.constant 0 : i32
    %dma_wait3A_219 = tpu.memref_slice %arg2[%dma_wait3A_217, %dma_wait3A_218] : memref<8192x1024xf32, #tpu.memory_space<hbm>> -> memref<8192x1024xf32, #tpu.memory_space<hbm>>
    tpu.wait_indirect_dma semaphore(%arg12 : memref<!tpu.dma_semaphore, #tpu.memory_space<semaphore_mem>>) src(%dma_wait3A_219 : memref<8192x1024xf32, #tpu.memory_space<hbm>>) dst(%dma_wait3A_214 : memref<8x1024xf32, #tpu.memory_space<vmem>>)
    %add3A_220 = arith.constant 1000 : i32
    %add3A_221 = arith.addi %mul3A_2, %add3A_220 : i32
    %dma_start3A_222 = arith.constant 5 : i32
    %dma_start3A_223 = arith.constant 0 : i32
    %dma_start3A_224 = arith.constant 0 : i32
    %dma_start3A_225 = tpu.memref_slice %arg6[%dma_start3A_222, %dma_start3A_223, %dma_start3A_224] : memref<8x8x1024xf32, #tpu.memory_space<vmem>> -> memref<1x8x1024xf32, #tpu.memory_space<vmem>>
    %dma_start3A_226 = tpu.memref_squeeze %dma_start3A_225 : memref<1x8x1024xf32, #tpu.memory_space<vmem>> -> memref<8x1024xf32, #tpu.memory_space<vmem>>
    %dma_start3A_227 = arith.constant 0 : i32
    %dma_start3A_228 = tpu.memref_slice %arg4[%add3A_221, %dma_start3A_227] : memref<32768x1024xf32, #tpu.memory_space<hbm>> -> memref<8x1024xf32, #tpu.memory_space<hbm>>
    %dma_start3A_229 = arith.constant 0 : i32
    %dma_start3A_230 = tpu.memref_slice %arg4[%add3A_221, %dma_start3A_229] : memref<32768x1024xf32, #tpu.memory_space<hbm>> -> memref<8x1024xf32, #tpu.memory_space<hbm>>
    %dma_start3A_231 = arith.constant 0 : i32
    %dma_start3A_232 = arith.constant 0 : i32
    %dma_start3A_233 = tpu.memref_slice %arg6[%dma_start3A_222, %dma_start3A_231, %dma_start3A_232] : memref<8x8x1024xf32, #tpu.memory_space<vmem>> -> memref<1x8x1024xf32, #tpu.memory_space<vmem>>
    %dma_start3A_234 = tpu.memref_squeeze %dma_start3A_233 : memref<1x8x1024xf32, #tpu.memory_space<vmem>> -> memref<8x1024xf32, #tpu.memory_space<vmem>>
    tpu.enqueue_dma source(%dma_start3A_234 : memref<8x1024xf32, #tpu.memory_space<vmem>>) target(%dma_start3A_230 : memref<8x1024xf32, #tpu.memory_space<hbm>>) target_semaphore(%arg20 : memref<!tpu.dma_semaphore, #tpu.memory_space<semaphore_mem>>)
    %dma_wait3A_235 = arith.constant 6 : i32
    %dma_wait3A_236 = arith.constant 0 : i32
    %dma_wait3A_237 = arith.constant 0 : i32
    %dma_wait3A_238 = tpu.memref_slice %arg6[%dma_wait3A_235, %dma_wait3A_236, %dma_wait3A_237] : memref<8x8x1024xf32, #tpu.memory_space<vmem>> -> memref<1x8x1024xf32, #tpu.memory_space<vmem>>
    %dma_wait3A_239 = tpu.memref_squeeze %dma_wait3A_238 : memref<1x8x1024xf32, #tpu.memory_space<vmem>> -> memref<8x1024xf32, #tpu.memory_space<vmem>>
    %dma_wait3A_240 = arith.constant 1008 : i32
    %dma_wait3A_241 = tpu.memref_slice %arg5[%dma_wait3A_240] : memref<1024xi32, #tpu.memory_space<vmem>> -> memref<8xi32, #tpu.memory_space<vmem>>
    %dma_wait3A_242 = arith.constant 0 : i32
    %dma_wait3A_243 = arith.constant 0 : i32
    %dma_wait3A_244 = tpu.memref_slice %arg2[%dma_wait3A_242, %dma_wait3A_243] : memref<8192x1024xf32, #tpu.memory_space<hbm>> -> memref<8192x1024xf32, #tpu.memory_space<hbm>>
    tpu.wait_indirect_dma semaphore(%arg13 : memref<!tpu.dma_semaphore, #tpu.memory_space<semaphore_mem>>) src(%dma_wait3A_244 : memref<8192x1024xf32, #tpu.memory_space<hbm>>) dst(%dma_wait3A_239 : memref<8x1024xf32, #tpu.memory_space<vmem>>)
    %add3A_245 = arith.constant 1008 : i32
    %add3A_246 = arith.addi %mul3A_2, %add3A_245 : i32
    %dma_start3A_247 = arith.constant 6 : i32
    %dma_start3A_248 = arith.constant 0 : i32
    %dma_start3A_249 = arith.constant 0 : i32
    %dma_start3A_250 = tpu.memref_slice %arg6[%dma_start3A_247, %dma_start3A_248, %dma_start3A_249] : memref<8x8x1024xf32, #tpu.memory_space<vmem>> -> memref<1x8x1024xf32, #tpu.memory_space<vmem>>
    %dma_start3A_251 = tpu.memref_squeeze %dma_start3A_250 : memref<1x8x1024xf32, #tpu.memory_space<vmem>> -> memref<8x1024xf32, #tpu.memory_space<vmem>>
    %dma_start3A_252 = arith.constant 0 : i32
    %dma_start3A_253 = tpu.memref_slice %arg4[%add3A_246, %dma_start3A_252] : memref<32768x1024xf32, #tpu.memory_space<hbm>> -> memref<8x1024xf32, #tpu.memory_space<hbm>>
    %dma_start3A_254 = arith.constant 0 : i32
    %dma_start3A_255 = tpu.memref_slice %arg4[%add3A_246, %dma_start3A_254] : memref<32768x1024xf32, #tpu.memory_space<hbm>> -> memref<8x1024xf32, #tpu.memory_space<hbm>>
    %dma_start3A_256 = arith.constant 0 : i32
    %dma_start3A_257 = arith.constant 0 : i32
    %dma_start3A_258 = tpu.memref_slice %arg6[%dma_start3A_247, %dma_start3A_256, %dma_start3A_257] : memref<8x8x1024xf32, #tpu.memory_space<vmem>> -> memref<1x8x1024xf32, #tpu.memory_space<vmem>>
    %dma_start3A_259 = tpu.memref_squeeze %dma_start3A_258 : memref<1x8x1024xf32, #tpu.memory_space<vmem>> -> memref<8x1024xf32, #tpu.memory_space<vmem>>
    tpu.enqueue_dma source(%dma_start3A_259 : memref<8x1024xf32, #tpu.memory_space<vmem>>) target(%dma_start3A_255 : memref<8x1024xf32, #tpu.memory_space<hbm>>) target_semaphore(%arg21 : memref<!tpu.dma_semaphore, #tpu.memory_space<semaphore_mem>>)
    %dma_wait3A_260 = arith.constant 7 : i32
    %dma_wait3A_261 = arith.constant 0 : i32
    %dma_wait3A_262 = arith.constant 0 : i32
    %dma_wait3A_263 = tpu.memref_slice %arg6[%dma_wait3A_260, %dma_wait3A_261, %dma_wait3A_262] : memref<8x8x1024xf32, #tpu.memory_space<vmem>> -> memref<1x8x1024xf32, #tpu.memory_space<vmem>>
    %dma_wait3A_264 = tpu.memref_squeeze %dma_wait3A_263 : memref<1x8x1024xf32, #tpu.memory_space<vmem>> -> memref<8x1024xf32, #tpu.memory_space<vmem>>
    %dma_wait3A_265 = arith.constant 1016 : i32
    %dma_wait3A_266 = tpu.memref_slice %arg5[%dma_wait3A_265] : memref<1024xi32, #tpu.memory_space<vmem>> -> memref<8xi32, #tpu.memory_space<vmem>>
    %dma_wait3A_267 = arith.constant 0 : i32
    %dma_wait3A_268 = arith.constant 0 : i32
    %dma_wait3A_269 = tpu.memref_slice %arg2[%dma_wait3A_267, %dma_wait3A_268] : memref<8192x1024xf32, #tpu.memory_space<hbm>> -> memref<8192x1024xf32, #tpu.memory_space<hbm>>
    tpu.wait_indirect_dma semaphore(%arg14 : memref<!tpu.dma_semaphore, #tpu.memory_space<semaphore_mem>>) src(%dma_wait3A_269 : memref<8192x1024xf32, #tpu.memory_space<hbm>>) dst(%dma_wait3A_264 : memref<8x1024xf32, #tpu.memory_space<vmem>>)
    %add3A_270 = arith.constant 1016 : i32
    %add3A_271 = arith.addi %mul3A_2, %add3A_270 : i32
    %dma_start3A_272 = arith.constant 7 : i32
    %dma_start3A_273 = arith.constant 0 : i32
    %dma_start3A_274 = arith.constant 0 : i32
    %dma_start3A_275 = tpu.memref_slice %arg6[%dma_start3A_272, %dma_start3A_273, %dma_start3A_274] : memref<8x8x1024xf32, #tpu.memory_space<vmem>> -> memref<1x8x1024xf32, #tpu.memory_space<vmem>>
    %dma_start3A_276 = tpu.memref_squeeze %dma_start3A_275 : memref<1x8x1024xf32, #tpu.memory_space<vmem>> -> memref<8x1024xf32, #tpu.memory_space<vmem>>
    %dma_start3A_277 = arith.constant 0 : i32
    %dma_start3A_278 = tpu.memref_slice %arg4[%add3A_271, %dma_start3A_277] : memref<32768x1024xf32, #tpu.memory_space<hbm>> -> memref<8x1024xf32, #tpu.memory_space<hbm>>
    %dma_start3A_279 = arith.constant 0 : i32
    %dma_start3A_280 = tpu.memref_slice %arg4[%add3A_271, %dma_start3A_279] : memref<32768x1024xf32, #tpu.memory_space<hbm>> -> memref<8x1024xf32, #tpu.memory_space<hbm>>
    %dma_start3A_281 = arith.constant 0 : i32
    %dma_start3A_282 = arith.constant 0 : i32
    %dma_start3A_283 = tpu.memref_slice %arg6[%dma_start3A_272, %dma_start3A_281, %dma_start3A_282] : memref<8x8x1024xf32, #tpu.memory_space<vmem>> -> memref<1x8x1024xf32, #tpu.memory_space<vmem>>
    %dma_start3A_284 = tpu.memref_squeeze %dma_start3A_283 : memref<1x8x1024xf32, #tpu.memory_space<vmem>> -> memref<8x1024xf32, #tpu.memory_space<vmem>>
    tpu.enqueue_dma source(%dma_start3A_284 : memref<8x1024xf32, #tpu.memory_space<vmem>>) target(%dma_start3A_280 : memref<8x1024xf32, #tpu.memory_space<hbm>>) target_semaphore(%arg22 : memref<!tpu.dma_semaphore, #tpu.memory_space<semaphore_mem>>)
    %add3A_285 = arith.constant 960 : i32
    %add3A_286 = arith.addi %mul3A_2, %add3A_285 : i32
    %dma_wait3A_287 = arith.constant 0 : i32
    %dma_wait3A_288 = arith.constant 0 : i32
    %dma_wait3A_289 = arith.constant 0 : i32
    %dma_wait3A_290 = tpu.memref_slice %arg6[%dma_wait3A_287, %dma_wait3A_288, %dma_wait3A_289] : memref<8x8x1024xf32, #tpu.memory_space<vmem>> -> memref<1x8x1024xf32, #tpu.memory_space<vmem>>
    %dma_wait3A_291 = tpu.memref_squeeze %dma_wait3A_290 : memref<1x8x1024xf32, #tpu.memory_space<vmem>> -> memref<8x1024xf32, #tpu.memory_space<vmem>>
    %dma_wait3A_292 = arith.constant 0 : i32
    %dma_wait3A_293 = tpu.memref_slice %arg4[%add3A_286, %dma_wait3A_292] : memref<32768x1024xf32, #tpu.memory_space<hbm>> -> memref<8x1024xf32, #tpu.memory_space<hbm>>
    %dma_wait3A_294 = arith.constant 0 : i32
    %dma_wait3A_295 = tpu.memref_slice %arg4[%add3A_286, %dma_wait3A_294] : memref<32768x1024xf32, #tpu.memory_space<hbm>> -> memref<8x1024xf32, #tpu.memory_space<hbm>>
    %dma_wait3A_296 = arith.constant 0 : i32
    %dma_wait3A_297 = arith.constant 0 : i32
    %dma_wait3A_298 = tpu.memref_slice %arg6[%dma_wait3A_287, %dma_wait3A_296, %dma_wait3A_297] : memref<8x8x1024xf32, #tpu.memory_space<vmem>> -> memref<1x8x1024xf32, #tpu.memory_space<vmem>>
    %dma_wait3A_299 = tpu.memref_squeeze %dma_wait3A_298 : memref<1x8x1024xf32, #tpu.memory_space<vmem>> -> memref<8x1024xf32, #tpu.memory_space<vmem>>
    tpu.wait_dma2 semaphore(%arg15 : memref<!tpu.dma_semaphore, #tpu.memory_space<semaphore_mem>>) src(%dma_wait3A_299 : memref<8x1024xf32, #tpu.memory_space<vmem>>) dst(%dma_wait3A_295 : memref<8x1024xf32, #tpu.memory_space<hbm>>)
    %add3A_300 = arith.constant 968 : i32
    %add3A_301 = arith.addi %mul3A_2, %add3A_300 : i32
    %dma_wait3A_302 = arith.constant 1 : i32
    %dma_wait3A_303 = arith.constant 0 : i32
    %dma_wait3A_304 = arith.constant 0 : i32
    %dma_wait3A_305 = tpu.memref_slice %arg6[%dma_wait3A_302, %dma_wait3A_303, %dma_wait3A_304] : memref<8x8x1024xf32, #tpu.memory_space<vmem>> -> memref<1x8x1024xf32, #tpu.memory_space<vmem>>
    %dma_wait3A_306 = tpu.memref_squeeze %dma_wait3A_305 : memref<1x8x1024xf32, #tpu.memory_space<vmem>> -> memref<8x1024xf32, #tpu.memory_space<vmem>>
    %dma_wait3A_307 = arith.constant 0 : i32
    %dma_wait3A_308 = tpu.memref_slice %arg4[%add3A_301, %dma_wait3A_307] : memref<32768x1024xf32, #tpu.memory_space<hbm>> -> memref<8x1024xf32, #tpu.memory_space<hbm>>
    %dma_wait3A_309 = arith.constant 0 : i32
    %dma_wait3A_310 = tpu.memref_slice %arg4[%add3A_301, %dma_wait3A_309] : memref<32768x1024xf32, #tpu.memory_space<hbm>> -> memref<8x1024xf32, #tpu.memory_space<hbm>>
    %dma_wait3A_311 = arith.constant 0 : i32
    %dma_wait3A_312 = arith.constant 0 : i32
    %dma_wait3A_313 = tpu.memref_slice %arg6[%dma_wait3A_302, %dma_wait3A_311, %dma_wait3A_312] : memref<8x8x1024xf32, #tpu.memory_space<vmem>> -> memref<1x8x1024xf32, #tpu.memory_space<vmem>>
    %dma_wait3A_314 = tpu.memref_squeeze %dma_wait3A_313 : memref<1x8x1024xf32, #tpu.memory_space<vmem>> -> memref<8x1024xf32, #tpu.memory_space<vmem>>
    tpu.wait_dma2 semaphore(%arg16 : memref<!tpu.dma_semaphore, #tpu.memory_space<semaphore_mem>>) src(%dma_wait3A_314 : memref<8x1024xf32, #tpu.memory_space<vmem>>) dst(%dma_wait3A_310 : memref<8x1024xf32, #tpu.memory_space<hbm>>)
    %add3A_315 = arith.constant 976 : i32
    %add3A_316 = arith.addi %mul3A_2, %add3A_315 : i32
    %dma_wait3A_317 = arith.constant 2 : i32
    %dma_wait3A_318 = arith.constant 0 : i32
    %dma_wait3A_319 = arith.constant 0 : i32
    %dma_wait3A_320 = tpu.memref_slice %arg6[%dma_wait3A_317, %dma_wait3A_318, %dma_wait3A_319] : memref<8x8x1024xf32, #tpu.memory_space<vmem>> -> memref<1x8x1024xf32, #tpu.memory_space<vmem>>
    %dma_wait3A_321 = tpu.memref_squeeze %dma_wait3A_320 : memref<1x8x1024xf32, #tpu.memory_space<vmem>> -> memref<8x1024xf32, #tpu.memory_space<vmem>>
    %dma_wait3A_322 = arith.constant 0 : i32
    %dma_wait3A_323 = tpu.memref_slice %arg4[%add3A_316, %dma_wait3A_322] : memref<32768x1024xf32, #tpu.memory_space<hbm>> -> memref<8x1024xf32, #tpu.memory_space<hbm>>
    %dma_wait3A_324 = arith.constant 0 : i32
    %dma_wait3A_325 = tpu.memref_slice %arg4[%add3A_316, %dma_wait3A_324] : memref<32768x1024xf32, #tpu.memory_space<hbm>> -> memref<8x1024xf32, #tpu.memory_space<hbm>>
    %dma_wait3A_326 = arith.constant 0 : i32
    %dma_wait3A_327 = arith.constant 0 : i32
    %dma_wait3A_328 = tpu.memref_slice %arg6[%dma_wait3A_317, %dma_wait3A_326, %dma_wait3A_327] : memref<8x8x1024xf32, #tpu.memory_space<vmem>> -> memref<1x8x1024xf32, #tpu.memory_space<vmem>>
    %dma_wait3A_329 = tpu.memref_squeeze %dma_wait3A_328 : memref<1x8x1024xf32, #tpu.memory_space<vmem>> -> memref<8x1024xf32, #tpu.memory_space<vmem>>
    tpu.wait_dma2 semaphore(%arg17 : memref<!tpu.dma_semaphore, #tpu.memory_space<semaphore_mem>>) src(%dma_wait3A_329 : memref<8x1024xf32, #tpu.memory_space<vmem>>) dst(%dma_wait3A_325 : memref<8x1024xf32, #tpu.memory_space<hbm>>)
    %add3A_330 = arith.constant 984 : i32
    %add3A_331 = arith.addi %mul3A_2, %add3A_330 : i32
    %dma_wait3A_332 = arith.constant 3 : i32
    %dma_wait3A_333 = arith.constant 0 : i32
    %dma_wait3A_334 = arith.constant 0 : i32
    %dma_wait3A_335 = tpu.memref_slice %arg6[%dma_wait3A_332, %dma_wait3A_333, %dma_wait3A_334] : memref<8x8x1024xf32, #tpu.memory_space<vmem>> -> memref<1x8x1024xf32, #tpu.memory_space<vmem>>
    %dma_wait3A_336 = tpu.memref_squeeze %dma_wait3A_335 : memref<1x8x1024xf32, #tpu.memory_space<vmem>> -> memref<8x1024xf32, #tpu.memory_space<vmem>>
    %dma_wait3A_337 = arith.constant 0 : i32
    %dma_wait3A_338 = tpu.memref_slice %arg4[%add3A_331, %dma_wait3A_337] : memref<32768x1024xf32, #tpu.memory_space<hbm>> -> memref<8x1024xf32, #tpu.memory_space<hbm>>
    %dma_wait3A_339 = arith.constant 0 : i32
    %dma_wait3A_340 = tpu.memref_slice %arg4[%add3A_331, %dma_wait3A_339] : memref<32768x1024xf32, #tpu.memory_space<hbm>> -> memref<8x1024xf32, #tpu.memory_space<hbm>>
    %dma_wait3A_341 = arith.constant 0 : i32
    %dma_wait3A_342 = arith.constant 0 : i32
    %dma_wait3A_343 = tpu.memref_slice %arg6[%dma_wait3A_332, %dma_wait3A_341, %dma_wait3A_342] : memref<8x8x1024xf32, #tpu.memory_space<vmem>> -> memref<1x8x1024xf32, #tpu.memory_space<vmem>>
    %dma_wait3A_344 = tpu.memref_squeeze %dma_wait3A_343 : memref<1x8x1024xf32, #tpu.memory_space<vmem>> -> memref<8x1024xf32, #tpu.memory_space<vmem>>
    tpu.wait_dma2 semaphore(%arg18 : memref<!tpu.dma_semaphore, #tpu.memory_space<semaphore_mem>>) src(%dma_wait3A_344 : memref<8x1024xf32, #tpu.memory_space<vmem>>) dst(%dma_wait3A_340 : memref<8x1024xf32, #tpu.memory_space<hbm>>)
    %add3A_345 = arith.constant 992 : i32
    %add3A_346 = arith.addi %mul3A_2, %add3A_345 : i32
    %dma_wait3A_347 = arith.constant 4 : i32
    %dma_wait3A_348 = arith.constant 0 : i32
    %dma_wait3A_349 = arith.constant 0 : i32
    %dma_wait3A_350 = tpu.memref_slice %arg6[%dma_wait3A_347, %dma_wait3A_348, %dma_wait3A_349] : memref<8x8x1024xf32, #tpu.memory_space<vmem>> -> memref<1x8x1024xf32, #tpu.memory_space<vmem>>
    %dma_wait3A_351 = tpu.memref_squeeze %dma_wait3A_350 : memref<1x8x1024xf32, #tpu.memory_space<vmem>> -> memref<8x1024xf32, #tpu.memory_space<vmem>>
    %dma_wait3A_352 = arith.constant 0 : i32
    %dma_wait3A_353 = tpu.memref_slice %arg4[%add3A_346, %dma_wait3A_352] : memref<32768x1024xf32, #tpu.memory_space<hbm>> -> memref<8x1024xf32, #tpu.memory_space<hbm>>
    %dma_wait3A_354 = arith.constant 0 : i32
    %dma_wait3A_355 = tpu.memref_slice %arg4[%add3A_346, %dma_wait3A_354] : memref<32768x1024xf32, #tpu.memory_space<hbm>> -> memref<8x1024xf32, #tpu.memory_space<hbm>>
    %dma_wait3A_356 = arith.constant 0 : i32
    %dma_wait3A_357 = arith.constant 0 : i32
    %dma_wait3A_358 = tpu.memref_slice %arg6[%dma_wait3A_347, %dma_wait3A_356, %dma_wait3A_357] : memref<8x8x1024xf32, #tpu.memory_space<vmem>> -> memref<1x8x1024xf32, #tpu.memory_space<vmem>>
    %dma_wait3A_359 = tpu.memref_squeeze %dma_wait3A_358 : memref<1x8x1024xf32, #tpu.memory_space<vmem>> -> memref<8x1024xf32, #tpu.memory_space<vmem>>
    tpu.wait_dma2 semaphore(%arg19 : memref<!tpu.dma_semaphore, #tpu.memory_space<semaphore_mem>>) src(%dma_wait3A_359 : memref<8x1024xf32, #tpu.memory_space<vmem>>) dst(%dma_wait3A_355 : memref<8x1024xf32, #tpu.memory_space<hbm>>)
    %add3A_360 = arith.constant 1000 : i32
    %add3A_361 = arith.addi %mul3A_2, %add3A_360 : i32
    %dma_wait3A_362 = arith.constant 5 : i32
    %dma_wait3A_363 = arith.constant 0 : i32
    %dma_wait3A_364 = arith.constant 0 : i32
    %dma_wait3A_365 = tpu.memref_slice %arg6[%dma_wait3A_362, %dma_wait3A_363, %dma_wait3A_364] : memref<8x8x1024xf32, #tpu.memory_space<vmem>> -> memref<1x8x1024xf32, #tpu.memory_space<vmem>>
    %dma_wait3A_366 = tpu.memref_squeeze %dma_wait3A_365 : memref<1x8x1024xf32, #tpu.memory_space<vmem>> -> memref<8x1024xf32, #tpu.memory_space<vmem>>
    %dma_wait3A_367 = arith.constant 0 : i32
    %dma_wait3A_368 = tpu.memref_slice %arg4[%add3A_361, %dma_wait3A_367] : memref<32768x1024xf32, #tpu.memory_space<hbm>> -> memref<8x1024xf32, #tpu.memory_space<hbm>>
    %dma_wait3A_369 = arith.constant 0 : i32
    %dma_wait3A_370 = tpu.memref_slice %arg4[%add3A_361, %dma_wait3A_369] : memref<32768x1024xf32, #tpu.memory_space<hbm>> -> memref<8x1024xf32, #tpu.memory_space<hbm>>
    %dma_wait3A_371 = arith.constant 0 : i32
    %dma_wait3A_372 = arith.constant 0 : i32
    %dma_wait3A_373 = tpu.memref_slice %arg6[%dma_wait3A_362, %dma_wait3A_371, %dma_wait3A_372] : memref<8x8x1024xf32, #tpu.memory_space<vmem>> -> memref<1x8x1024xf32, #tpu.memory_space<vmem>>
    %dma_wait3A_374 = tpu.memref_squeeze %dma_wait3A_373 : memref<1x8x1024xf32, #tpu.memory_space<vmem>> -> memref<8x1024xf32, #tpu.memory_space<vmem>>
    tpu.wait_dma2 semaphore(%arg20 : memref<!tpu.dma_semaphore, #tpu.memory_space<semaphore_mem>>) src(%dma_wait3A_374 : memref<8x1024xf32, #tpu.memory_space<vmem>>) dst(%dma_wait3A_370 : memref<8x1024xf32, #tpu.memory_space<hbm>>)
    %add3A_375 = arith.constant 1008 : i32
    %add3A_376 = arith.addi %mul3A_2, %add3A_375 : i32
    %dma_wait3A_377 = arith.constant 6 : i32
    %dma_wait3A_378 = arith.constant 0 : i32
    %dma_wait3A_379 = arith.constant 0 : i32
    %dma_wait3A_380 = tpu.memref_slice %arg6[%dma_wait3A_377, %dma_wait3A_378, %dma_wait3A_379] : memref<8x8x1024xf32, #tpu.memory_space<vmem>> -> memref<1x8x1024xf32, #tpu.memory_space<vmem>>
    %dma_wait3A_381 = tpu.memref_squeeze %dma_wait3A_380 : memref<1x8x1024xf32, #tpu.memory_space<vmem>> -> memref<8x1024xf32, #tpu.memory_space<vmem>>
    %dma_wait3A_382 = arith.constant 0 : i32
    %dma_wait3A_383 = tpu.memref_slice %arg4[%add3A_376, %dma_wait3A_382] : memref<32768x1024xf32, #tpu.memory_space<hbm>> -> memref<8x1024xf32, #tpu.memory_space<hbm>>
    %dma_wait3A_384 = arith.constant 0 : i32
    %dma_wait3A_385 = tpu.memref_slice %arg4[%add3A_376, %dma_wait3A_384] : memref<32768x1024xf32, #tpu.memory_space<hbm>> -> memref<8x1024xf32, #tpu.memory_space<hbm>>
    %dma_wait3A_386 = arith.constant 0 : i32
    %dma_wait3A_387 = arith.constant 0 : i32
    %dma_wait3A_388 = tpu.memref_slice %arg6[%dma_wait3A_377, %dma_wait3A_386, %dma_wait3A_387] : memref<8x8x1024xf32, #tpu.memory_space<vmem>> -> memref<1x8x1024xf32, #tpu.memory_space<vmem>>
    %dma_wait3A_389 = tpu.memref_squeeze %dma_wait3A_388 : memref<1x8x1024xf32, #tpu.memory_space<vmem>> -> memref<8x1024xf32, #tpu.memory_space<vmem>>
    tpu.wait_dma2 semaphore(%arg21 : memref<!tpu.dma_semaphore, #tpu.memory_space<semaphore_mem>>) src(%dma_wait3A_389 : memref<8x1024xf32, #tpu.memory_space<vmem>>) dst(%dma_wait3A_385 : memref<8x1024xf32, #tpu.memory_space<hbm>>)
    %add3A_390 = arith.constant 1016 : i32
    %add3A_391 = arith.addi %mul3A_2, %add3A_390 : i32
    %dma_wait3A_392 = arith.constant 7 : i32
    %dma_wait3A_393 = arith.constant 0 : i32
    %dma_wait3A_394 = arith.constant 0 : i32
    %dma_wait3A_395 = tpu.memref_slice %arg6[%dma_wait3A_392, %dma_wait3A_393, %dma_wait3A_394] : memref<8x8x1024xf32, #tpu.memory_space<vmem>> -> memref<1x8x1024xf32, #tpu.memory_space<vmem>>
    %dma_wait3A_396 = tpu.memref_squeeze %dma_wait3A_395 : memref<1x8x1024xf32, #tpu.memory_space<vmem>> -> memref<8x1024xf32, #tpu.memory_space<vmem>>
    %dma_wait3A_397 = arith.constant 0 : i32
    %dma_wait3A_398 = tpu.memref_slice %arg4[%add3A_391, %dma_wait3A_397] : memref<32768x1024xf32, #tpu.memory_space<hbm>> -> memref<8x1024xf32, #tpu.memory_space<hbm>>
    %dma_wait3A_399 = arith.constant 0 : i32
    %dma_wait3A_400 = tpu.memref_slice %arg4[%add3A_391, %dma_wait3A_399] : memref<32768x1024xf32, #tpu.memory_space<hbm>> -> memref<8x1024xf32, #tpu.memory_space<hbm>>
    %dma_wait3A_401 = arith.constant 0 : i32
    %dma_wait3A_402 = arith.constant 0 : i32
    %dma_wait3A_403 = tpu.memref_slice %arg6[%dma_wait3A_392, %dma_wait3A_401, %dma_wait3A_402] : memref<8x8x1024xf32, #tpu.memory_space<vmem>> -> memref<1x8x1024xf32, #tpu.memory_space<vmem>>
    %dma_wait3A_404 = tpu.memref_squeeze %dma_wait3A_403 : memref<1x8x1024xf32, #tpu.memory_space<vmem>> -> memref<8x1024xf32, #tpu.memory_space<vmem>>
    tpu.wait_dma2 semaphore(%arg22 : memref<!tpu.dma_semaphore, #tpu.memory_space<semaphore_mem>>) src(%dma_wait3A_404 : memref<8x1024xf32, #tpu.memory_space<vmem>>) dst(%dma_wait3A_400 : memref<8x1024xf32, #tpu.memory_space<hbm>>)
    return
  }
}

</mosaic_0001>

<sc_bundles>
// kernel: kernel.3.cloned.1.call-start
scs
__scs_entry_jumppad:
0x0: {  	(pc) =	sbr.rel $0x88, $3  }
0x1: {  	(tag) =	ssettag $0x0;
	lr =	simm.s32 $0x1  }
0x2: {  	[smem:$0x3F9F] =	sst lr;
	_ =	strace $0xD0000000  }
0x3: {  	_ = 	snop  }
0x4: {  	_ = 	snop  }
0x5: {  	_ = 	snop  }
0x6: {  	_ = 	snop  }
0x7: {  	_ = 	snop  }
__scs_overlays_trampoline_lowered:
0x8: {  	[smem:$0x3FAE] =	sst s0  }
0x9: {  	[smem:$0x3FAF] =	sst s1  }
0xa: {  	[smem:$0x3FB0] =	sst s2  }
0xb: {  	[smem:$0x3FB1] =	sst s3  }
0xc: {  	[smem:$0x3FB2] =	sst s4  }
0xd: {  	[smem:$0x3FB3] =	sst s5  }
0xe: {  	[smem:$0x3FB4] =	sst s6  }
0xf: {  	[smem:$0x3FB5] =	sst s7  }
0x10: {  	[smem:$0x3FB6] =	sst s8  }
0x11: {  	[smem:$0x3FB7] =	sst s9;
	s0 =	simm.s32 @!p0 $0x0  }
0x12: {  	s1 =	sld [smem:$0x3F9D];
	s0 =	simm.s32 @p0 $0x1  }
0x13: {  	[smem:$0x3FB8] =	sst s0;
	s0 =	simm.s32 @!p1 $0x0  }
0x14: {  	s2 =	sld [smem:$0x3F9C];
	s0 =	simm.s32 @p1 $0x1  }
0x15: {  	[smem:$0x3FB9] =	sst s0;
	s0 =	simm.s32 @!p2 $0x0  }
0x16: {  	s3 =	sld [smem:$0x3FDB];
	s0 =	simm.s32 @p2 $0x1  }
0x17: {  	s4 =	simm.s32 $0x1BF5;
	[smem:$0x3FBB] =	sst s0  }
0x18: {  	s0 =	sld [smem:$0x3F9E];
	_ =	swait.ge [sflag:s4], $0x0  }
0x19: {  	s7 =	sld [smem:$0x3F9F]  }
0x1a: {  	s8 =	sadd.s32 $0xFFFFE003, lr  }
0x1b: {  	s9 =	sadd.s32 $0xFFFFFEF7, lr;
	s5 =	simm.s32 $0xFFFFFFFF;
	p2 =	slt.u32 s8, $0xFFFFF086  }
0x1c: {  	p1 =	slt.u32 s9, $0xF7A;
	s5 =	simm.s32 @!p2 $0x0  }
0x1d: {  	s5 =	simm.s32 @p1 $0x1;
	p0 =	seq.s32 s7, s2  }
0x1e: {  	s7 =	smul.u32 @!p0 $0xF7A, s2;
	p2 =	seq.s32 @!p0 s5, $0x0  }
0x1f: {  	s9 =	smul.u32 $0xF7A, s1;
	s8 =	simm.s32 @!p0 $0x1BF5;
	p2 =	por !p2, p0  }
0x20: {  	[sflag:s8] =	ssyncset.s32 @!p0 $0xFFFFF086;
	s6 =	sadd.s32 @!p0 s3, s7;
	s7 =	simm.s32 @!p0 $0x108  }
0x21: {  	s3 =	sadd.s32 s3, s9;
	s6 =	sadd.s32 @!p0 $0x88, s6;
	s7 =	simm.s32 @p2 $0x1082  }
0x22: {  	[simem:s7], [sflag:s8] =	dma.local @!p0 [hbm:s6], $0xF7A  }
0x23: {  	s9 =	sor.u32 $0xD0000000, s2;
	s6 =	simm.s32 $0x108;
	_ =	swait.ge @!p0 [sflag:s8], $0x0  }
0x24: {  	s3 =	sadd.s32 $0x88, s3;
	s6 =	simm.s32 @!p1 $0x1082;
	[sflag:s4] =	ssyncset.s32 $0xFFFFF086  }
0x25: {  	[simem:s6], [sflag:s4] =	dma.local [hbm:s3], $0xF7A  }
0x26: {  	[smem:$0x3F9F] =	sst s1;
	(tag) =	ssettag s2;
	_ =	strace s9  }
0x27: {  	s1 =	sld [smem:$0x3FAF]  }
0x28: {  	s2 =	sld [smem:$0x3FB0]  }
0x29: {  	s4 =	sld [smem:$0x3FB2]  }
0x2a: {  	p0 =	seq.s32 s5, $0x0;
	s5 =	sld [smem:$0x3FB3]  }
0x2b: {  	s6 =	sld [smem:$0x3FB4]  }
0x2c: {  	s7 =	sld [smem:$0x3FB5]  }
0x2d: {  	s3 =	simm.s32 $0x108;
	s8 =	sld [smem:$0x3FB6]  }
0x2e: {  	s3 =	simm.s32 @!p0 $0x1082;
	s9 =	sld [smem:$0x3FB7]  }
0x2f: {  	lr =	sadd.s32 s0, s3;
	s0 =	sld [smem:$0x3FAE]  }
0x30: {  	s3 =	sld [smem:$0x3FB1]  }
0x31: {  	[smem:$0x3FBA] =	sst s10  }
0x32: {  	s10 =	sld [smem:$0x3FB8];
	_ =	sdelay $0x3  }
0x33: {  	p0 =	seq.s32 s10, $0x1;
	s10 =	sld [smem:$0x3FBA];
	_ =	sdelay $0x3  }
0x34: {  	[smem:$0x3FBA] =	sst s10  }
0x35: {  	s10 =	sld [smem:$0x3FB9];
	_ =	sdelay $0x3  }
0x36: {  	p1 =	seq.s32 s10, $0x1;
	s10 =	sld [smem:$0x3FBA];
	_ =	sdelay $0x3  }
0x37: {  	[smem:$0x3FBA] =	sst s10  }
0x38: {  	s10 =	sld [smem:$0x3FBB]  }
0x39: {  	_ = 	snop;
	(pc) =	sbr.ind lr, $3  }
0x3a: {  	_ = 	snop  }
0x3b: {  	_ = 	snop  }
0x3c: {  	p2 =	seq.s32 s10, $0x1;
	s10 =	sld [smem:$0x3FBA]  }
0x3d: {  	_ =	shalt  }
0x3e: {  	_ =	shalt  }
0x3f: {  	_ =	shalt  }
0x40: {  	_ =	shalt  }
0x41: {  	_ =	shalt  }
0x42: {  	_ =	shalt  }
0x43: {  	_ =	shalt  }
0x44: {  	_ =	shalt  }
0x45: {  	_ =	shalt  }
0x46: {  	_ =	shalt  }
0x47: {  	_ =	shalt  }
0x48: {  	_ =	shalt  }
0x49: {  	_ =	shalt  }
0x4a: {  	_ =	shalt  }
0x4b: {  	_ =	shalt  }
0x4c: {  	_ =	shalt  }
0x4d: {  	_ =	shalt  }
0x4e: {  	_ =	shalt  }
0x4f: {  	_ =	shalt  }
0x50: {  	_ =	shalt  }
0x51: {  	_ =	shalt  }
0x52: {  	_ =	shalt  }
0x53: {  	_ =	shalt  }
0x54: {  	_ =	shalt  }
0x55: {  	_ =	shalt  }
0x56: {  	_ =	shalt  }
0x57: {  	_ =	shalt  }
0x58: {  	_ =	shalt  }
0x59: {  	_ =	shalt  }
0x5a: {  	_ =	shalt  }
0x5b: {  	_ =	shalt  }
0x5c: {  	_ =	shalt  }
0x5d: {  	_ =	shalt  }
0x5e: {  	_ =	shalt  }
0x5f: {  	_ =	shalt  }
0x60: {  	_ =	shalt  }
0x61: {  	_ =	shalt  }
0x62: {  	_ =	shalt  }
0x63: {  	_ =	shalt  }
0x64: {  	_ =	shalt  }
0x65: {  	_ =	shalt  }
0x66: {  	_ =	shalt  }
0x67: {  	_ =	shalt  }
0x68: {  	_ =	shalt  }
0x69: {  	_ =	shalt  }
0x6a: {  	_ =	shalt  }
0x6b: {  	_ =	shalt  }
0x6c: {  	_ =	shalt  }
0x6d: {  	_ =	shalt  }
0x6e: {  	_ =	shalt  }
0x6f: {  	_ =	shalt  }
0x70: {  	_ =	shalt  }
0x71: {  	_ =	shalt  }
0x72: {  	_ =	shalt  }
0x73: {  	_ =	shalt  }
0x74: {  	_ =	shalt  }
0x75: {  	_ =	shalt  }
0x76: {  	_ =	shalt  }
0x77: {  	_ =	shalt  }
0x78: {  	_ =	shalt  }
0x79: {  	_ =	shalt  }
0x7a: {  	_ =	shalt  }
0x7b: {  	_ =	shalt  }
0x7c: {  	_ =	shalt  }
0x7d: {  	_ =	shalt  }
0x7e: {  	_ =	shalt  }
0x7f: {  	_ =	shalt  }
0x80: {  	_ =	shalt  }
0x81: {  	_ =	shalt  }
0x82: {  	_ =	shalt  }
0x83: {  	_ =	shalt  }
0x84: {  	_ =	shalt  }
0x85: {  	_ =	shalt  }
0x86: {  	_ =	shalt  }
0x87: {  	_ =	shalt  }
.Lfunc_end0:
.L_simem_size_0:
called_computation_lowered:
.L_overlay_start_0:
0x88: {  	s2 =	sld [smem:$0x3FD9]  }
0x89: {  	s3 =	sld [smem:$0x3FFE];
	_ =	sdelay $0x1  }
0x8a: {  	s1 =	srdreg.scid  }
0x8b: {  	s0 =	sand.u32 $0x1, s1  }
0x8c: {  	s17 =	sshll.u32 s0, $0xA;
	s2 =	sadd.s32 s3, s2  }
0x8d: {  	s2 =	sadd.s32 s2, s17  }
0x8e: {  	[smem:$0x3FC6] =	sst s2  }
0x8f: {  	_ = 	snop  }
0x90: {  	s2 =	sld [smem:$0x3FC9]  }
0x91: {  	s18 =	sld [smem:$0x3FD0];
	(tm) =	ssettm $0x1  }
0x92: {  	s4 =	sld [smem:$0x3FFB];
	_ =	sdelay $0x3  }
0x93: {  	_ =	strace s4  }
0x94: {  	s4 =	sld [smem:$0x3FFC];
	_ =	sdelay $0x3  }
0x95: {  	_ =	strace s4  }
0x96: {  	s4 =	sld [smem:$0x3FFD];
	_ =	sdelay $0x3  }
0x97: {  	_ =	strace s4  }
0x98: {  	_ =	strace $0x8FFFFFFF  }
0x99: {  	s19 =	sld [smem:$0x3FDB];
	_ =	sdelay $0x1  }
0x9a: {  	s5 =	simm.s32 $_scs_section_size  }
0x9b: {  	s6 =	simm.s32 $_size__tile_overlayer_lowered;
	s7 =	simm.s32 $_tile_overlayer_lowered  }
0x9c: {  	s22 =	simm.s32 $0x1BFF;
	s21 =	sshll.u32 s7, $0x1;
	s4 =	sadd.s32 s5, s19  }
0x9d: {  	s8 =	simm.s32 $0x0;
	s20 =	sshll.u32 s6, $0x1;
	s6 =	sadd.s32 s21, s4  }
0x9e: {  	[timem:s8], [sflag:s22] =	dma.local [hbm:s6], s20  }
0x9f: {  	_ =	swait.ge [sflag:s22], s20  }
0xa0: {  	s5 =	ssub.s32 $0x0, s20;
	[sflag:s22] =	ssyncset.done $0x0  }
0xa1: {  	[sflag:s22] =	ssyncadd.s32 s5;
	_ =	sdelay $0x1  }
0xa2: {  	s23 =	simm.s32 $0x1B8B  }
0xa3: {  	_ =	swait.ge [sflag:s23], $0x1  }
0xa4: {  	[sflag:s23] =	ssyncset.done $0x0  }
0xa5: {  	s25 =	simm.s32 $0x1B8E;
	s24 =	sld [smem:$0x3FFE];
	[sflag:s23] =	ssyncadd.s32 $0xFFFFFFFF  }
0xa6: {  	s26 =	simm.s32 $execute0_lowered;
	[smem:$0x3FD2] =	sst s25  }
0xa7: {  	s6 =	sshll.u32 s26, $0x1;
	_ =	strace $0x80000046;
	[dreg:$0x1] =	wrdreg $0xFFFFFFFF  }
0xa8: {  	s28 =	simm.s32 $_size_execute0_lowered;
	s4 =	sadd.s32 s4, s6;
	[dreg:$0x0] =	wrdreg $0x0  }
0xa9: {  	s6 =	sshll.u32 s28, $0x1;
	[dreg:$0x2] =	wrdreg s4  }
0xaa: {  	[dreg:$0x3] =	wrdreg s6  }
0xab: {  	[dreg:$0x4] =	wrdreg $0xC0  }
0xac: {  	_ =	task [dreg:s8], $0x5FFFF  }
0xad: {  	[dreg:$0x1] =	wrdreg $0xFFFFFFFF  }
0xae: {  	[dreg:$0x0] =	wrdreg $0x60  }
0xaf: {  	[dreg:$0x2] =	wrdreg s2  }
0xb0: {  	[dreg:$0x3] =	wrdreg s24  }
0xb1: {  	[dreg:$0x4] =	wrdreg s18  }
0xb2: {  	[dreg:$0x5] =	wrdreg $0x9  }
0xb3: {  	_ =	task.clear_ibuf [dreg:s8], $0x6FFFF;
	_ =	strace $0x90000046  }
0xb4: {  	s29 =	simm.s32 $0x9;
	_ =	strace $0x80000048  }
0xb5: {  	_ =	swait.ge [sflag:s29], $0x1  }
0xb6: {  	[sflag:s29] =	ssyncadd.s32 $0xFFFFFFFF  }
0xb7: {  	_ =	strace $0x90000048  }
0xb8: {  	_ =	sfence  }
0xb9: {  	s30 =	sld [smem:$0x0];
	_ =	sdelay $0x2  }
0xba: {  	s31 =	sshll.u32 s1, $0xD;
	s1 =	sshrl.u32 s1, $0x2  }
0xbb: {  	s3 =	sand.u32 $0x4000, s31;
	s1 =	sadd.s32 s1, s30  }
0xbc: {  	s0 =	sor.u32 s3, s0;
	s1 =	sshll.u32 s1, $0x11  }
0xbd: {  	s0 =	sor.u32 s1, s0  }
0xbe: {  	s0 =	sadd.s32 $0x8F2B, s0  }
0xbf: {  	[sflag:s0] =	ssyncadd.remote.s32 $0x1  }
0xc0: {  	_ =	sfence.sel $0xFFFF  }
0xc1: {  	[dreg:$0x0] =	wrdreg $0xFFFFFFFF;
	(pc) =	sbr.abs _section_cstart, $3  }
0xc2: {  	[dreg:$0x1] =	wrdreg $0xFFFFFFFF  }
0xc3: {  	_ =	task.clear_ibuf [dreg:s8], $0x2FFFF;
	_ =	strace $0x9FFFFFFF  }
0xc4: {  	(tm) =	ssettm $0x7FFFFFFF  }
0xc5: {  	_ =	shalt  }
tec
execute0_lowered:
.L_overlay_start_1:
0x0: {  	(tag) =	ssettag $0x1  }
0x1: {  	s1 =	rddreg [dreg:$0x0]  }
0x2: {  	s0 =	rddreg [dreg:$0x1]  }
0x3: {  	s2 =	rddreg [dreg:$0x2]  }
0x4: {  	s3 =	srdreg.scid;
	s9 =	stileid.u32;
	s12 =	simm.s32 $0x2400  }
0x5: {  	s31 =	simm.s32 $0x2C00;
	s14 =	simm.s32 $0x3400;
	s28 =	simm.s32 $0x6C00  }
0x6: {  	s29 =	simm.s32 $0x8400;
	s30 =	simm.s32 $0x8C00;
	s11 =	simm.s32 $0xEC00  }
0x7: {  	s13 =	simm.s32 $0x0;
	s15 =	simm.s32 $0x3;
	s4 =	sand.u32 $0x1, s3  }
0x8: {  	s3 =	simm.s32 $0x0;
	s5 =	sshll.u32 s9, $0xB;
	s9 =	sshll.u32 s9, $0x12  }
0x9: {  	s6 =	sshll.u32 s4, $0xA;
	[smem:$0x7FF] =	sst s3;
	s16 =	ssub.s32 $0x2, s4  }
0xa: {  	s4 =	sshll.u32 s4, $0x11;
	s5 =	sor.u32 s6, s5;
	_ =	strace $0x80000047  }
0xb: {  	s8 =	sshrl.u32 s16, $0x1;
	s6 =	sadd.s32 $0x200, s1;
	s7 =	sshrl.u32 s5, $0x3  }
0xc: {  	s8 =	ssub.s32 s16, s8;
	s17 =	sshll.u32 s5, $0x7;
	s5 =	sadd.s32 $0x100, s1  }
0xd: {  	s16 =	simm.s32 $0x4C00;
	s0 =	sadd.s32 s7, s0;
	s25 =	smax.u32 s8, $0x1  }
0xe: {  	s18 =	sadd.s32 s17, s2;
	s0 =	sadd.s32 $0x400, s0;
	[dreg:$0xe] =	wrdreg s25  }
0xf: {  	s7 =	sadd.s32 $0x300, s1;
	s10 =	sadd.s32 $0x1E000, s18;
	[dreg:$0x5] =	wrdreg s0  }
0x10: {  	s2 =	sadd.s32 s9, s2;
	s19 =	sadd.s32 $0x1E400, s18;
	[dreg:$0x6] =	wrdreg s10  }
0x11: {  	s8 =	simm.s32 $0x4400;
	s20 =	sadd.s32 $0x1E800, s18;
	[dreg:$0x7] =	wrdreg s19  }
0x12: {  	s9 =	simm.s32 $0xCC00;
	s21 =	sadd.s32 $0x1EC00, s18;
	[dreg:$0x8] =	wrdreg s20  }
0x13: {  	s17 =	simm.s32 $0x4;
	s22 =	sadd.s32 $0x1F000, s18;
	[dreg:$0x9] =	wrdreg s21  }
0x14: {  	s23 =	sadd.s32 $0x1F400, s18;
	s24 =	sadd.s32 $0x1F800, s18;
	[dreg:$0xa] =	wrdreg s22  }
0x15: {  	s26 =	sadd.s32 s4, s2;
	s25 =	simm.s32 $0x1C00;
	[dreg:$0xb] =	wrdreg s23  }
0x16: {  	s2 =	simm.s32 $0xAC00;
	s4 =	simm.s32 $0xC400;
	[dreg:$0xc] =	wrdreg s24  }
0x17: {  	s0 =	sadd.s32 $0x1FC00, s18;
	[dreg:$0x4] =	wrdreg s26;
	s22 =	simm.s32 $0x400  }
0x18: {  	v0 =	vlaneseq.u32;
	s26 =	simm.s32 $0xC00;
	s24 =	simm.s32 $0x1400;
	s21 =	simm.s32 $0x6400  }
0x19: {  	v1 =	vshrl.u32 v0, $0x3;
	s10 =	simm.s32 $0xE400;
	s19 =	simm.s32 $0x5;
	s20 =	simm.s32 $0x6  }
0x1a: {  	vm0 =	vmmov $0xffff;
	v0 =	vand.u32 $0x7, v0;
	v1 =	vmul.u32 $0x8, v1;
	s23 =	simm.s32 $0x7;
	[dreg:$0xd] =	wrdreg s0;
	s0 =	simm.s32 $0xA400  }
.LBB2_1:
0x1b: {  	[dreg:$0xf] =	wrdreg s13  }
0x1c: {  	s18 =	rddreg [dreg:$0x5];
	s13 =	simm.s32 $0x11  }
0x1d: {  	[tilespmem:s3], [sflag:$0x11] =	stream.linear.gather [hbm4b:s18+s3], $0x400, $0x38;
	[tilespmem:$0x10400] =	vst v63  }
0x1e: {  	_ =	swait.ge [sflag:s13], $0x400  }
0x1f: {  	[sflag:s13] =	ssyncset.done $0x0  }
0x20: {  	[sflag:s13] =	ssyncadd.s32 $0xFFFFFC00  }
0x21: {  	v2 =	vld.msk [tilespmem:$0x0], $0xff;
	_ =	sdelay $0x4  }
0x22: {  	v3 =	vshll.u32 v2, $0x3  }
0x23: {  	v2 =	vand.u32 $0x7, v2;
	v3 =	vand.u32 $0xFFFFFFC0, v3  }
0x24: {  	v2 =	vor.u32 v2, v3  }
0x25: {  	v2 =	vperm.xlane v2, v0;
	_ =	sdelay $0x1  }
0x26: {  	v2 =	vadd.s32 v1, v2;
	_ =	sdelay $0x4  }
0x27: {  	[tilespmem:s22], [sflag:$0x1] =	stream.indirect_vreg.gather [hbm4b:s1+s3], $0x80, v2, vm0, $0xb8;
	[tilespmem:$0x10400] =	vst v63  }
0x28: {  	_ = 	snop  }
0x29: {  	[tilespmem:s26], [sflag:$0x1] =	stream.indirect_vreg.gather [hbm4b:s5+s3], $0x80, v2, vm0, $0xb8;
	[tilespmem:$0x10400] =	vst v63  }
0x2a: {  	_ = 	snop  }
0x2b: {  	[tilespmem:s24], [sflag:$0x1] =	stream.indirect_vreg.gather [hbm4b:s6+s3], $0x80, v2, vm0, $0xb8;
	[tilespmem:$0x10400] =	vst v63  }
0x2c: {  	_ = 	snop  }
0x2d: {  	[tilespmem:s25], [sflag:$0x1] =	stream.indirect_vreg.gather [hbm4b:s7+s3], $0x80, v2, vm0, $0xb8;
	[tilespmem:$0x10400] =	vst v63  }
0x2e: {  	v2 =	vld.msk [tilespmem:$0x8], $0xff;
	_ =	sdelay $0x4  }
0x2f: {  	v3 =	vshll.u32 v2, $0x3  }
0x30: {  	v2 =	vand.u32 $0x7, v2;
	v3 =	vand.u32 $0xFFFFFFC0, v3  }
0x31: {  	v2 =	vor.u32 v2, v3  }
0x32: {  	v2 =	vperm.xlane v2, v0;
	_ =	sdelay $0x1  }
0x33: {  	v2 =	vadd.s32 v1, v2;
	_ =	sdelay $0x4  }
0x34: {  	[tilespmem:s12], [sflag:$0x2] =	stream.indirect_vreg.gather [hbm4b:s1+s3], $0x80, v2, vm0, $0xb8;
	[tilespmem:$0x10400] =	vst v63  }
0x35: {  	_ = 	snop  }
0x36: {  	[tilespmem:s31], [sflag:$0x2] =	stream.indirect_vreg.gather [hbm4b:s5+s3], $0x80, v2, vm0, $0xb8;
	[tilespmem:$0x10400] =	vst v63  }
0x37: {  	_ = 	snop  }
0x38: {  	[tilespmem:s14], [sflag:$0x2] =	stream.indirect_vreg.gather [hbm4b:s6+s3], $0x80, v2, vm0, $0xb8;
	[tilespmem:$0x10400] =	vst v63  }
0x39: {  	s13 =	simm.s32 $0x3C00  }
0x3a: {  	[tilespmem:s13], [sflag:$0x2] =	stream.indirect_vreg.gather [hbm4b:s7+s3], $0x80, v2, vm0, $0xb8;
	[tilespmem:$0x10400] =	vst v63  }
0x3b: {  	v2 =	vld.msk [tilespmem:$0x10], $0xff;
	_ =	sdelay $0x4  }
0x3c: {  	v3 =	vshll.u32 v2, $0x3  }
0x3d: {  	v2 =	vand.u32 $0x7, v2;
	v3 =	vand.u32 $0xFFFFFFC0, v3  }
0x3e: {  	v2 =	vor.u32 v2, v3  }
0x3f: {  	v2 =	vperm.xlane v2, v0;
	_ =	sdelay $0x1  }
0x40: {  	v2 =	vadd.s32 v1, v2;
	_ =	sdelay $0x4  }
0x41: {  	[tilespmem:s8], [sflag:$0x3] =	stream.indirect_vreg.gather [hbm4b:s1+s3], $0x80, v2, vm0, $0xb8;
	[tilespmem:$0x10400] =	vst v63  }
0x42: {  	_ = 	snop  }
0x43: {  	[tilespmem:s16], [sflag:$0x3] =	stream.indirect_vreg.gather [hbm4b:s5+s3], $0x80, v2, vm0, $0xb8;
	[tilespmem:$0x10400] =	vst v63  }
0x44: {  	s14 =	simm.s32 $0x5400  }
0x45: {  	[tilespmem:s14], [sflag:$0x3] =	stream.indirect_vreg.gather [hbm4b:s6+s3], $0x80, v2, vm0, $0xb8;
	[tilespmem:$0x10400] =	vst v63  }
0x46: {  	s16 =	simm.s32 $0x5C00  }
0x47: {  	[tilespmem:s16], [sflag:$0x3] =	stream.indirect_vreg.gather [hbm4b:s7+s3], $0x80, v2, vm0, $0xb8;
	[tilespmem:$0x10400] =	vst v63  }
0x48: {  	v2 =	vld.msk [tilespmem:$0x18], $0xff;
	_ =	sdelay $0x4  }
0x49: {  	v3 =	vshll.u32 v2, $0x3  }
0x4a: {  	v2 =	vand.u32 $0x7, v2;
	v3 =	vand.u32 $0xFFFFFFC0, v3  }
0x4b: {  	v2 =	vor.u32 v2, v3  }
0x4c: {  	v2 =	vperm.xlane v2, v0;
	_ =	sdelay $0x1  }
0x4d: {  	v2 =	vadd.s32 v1, v2;
	_ =	sdelay $0x4  }
0x4e: {  	[tilespmem:s21], [sflag:$0x4] =	stream.indirect_vreg.gather [hbm4b:s1+s3], $0x80, v2, vm0, $0xb8;
	[tilespmem:$0x10400] =	vst v63  }
0x4f: {  	_ = 	snop  }
0x50: {  	[tilespmem:s28], [sflag:$0x4] =	stream.indirect_vreg.gather [hbm4b:s5+s3], $0x80, v2, vm0, $0xb8;
	[tilespmem:$0x10400] =	vst v63  }
0x51: {  	s18 =	simm.s32 $0x7400  }
0x52: {  	[tilespmem:s18], [sflag:$0x4] =	stream.indirect_vreg.gather [hbm4b:s6+s3], $0x80, v2, vm0, $0xb8;
	[tilespmem:$0x10400] =	vst v63  }
0x53: {  	s21 =	simm.s32 $0x7C00  }
0x54: {  	[tilespmem:s21], [sflag:$0x4] =	stream.indirect_vreg.gather [hbm4b:s7+s3], $0x80, v2, vm0, $0xb8;
	[tilespmem:$0x10400] =	vst v63  }
0x55: {  	v2 =	vld.msk [tilespmem:$0x20], $0xff;
	_ =	sdelay $0x4  }
0x56: {  	v3 =	vshll.u32 v2, $0x3  }
0x57: {  	v2 =	vand.u32 $0x7, v2;
	v3 =	vand.u32 $0xFFFFFFC0, v3  }
0x58: {  	v2 =	vor.u32 v2, v3  }
0x59: {  	v2 =	vperm.xlane v2, v0;
	_ =	sdelay $0x1  }
0x5a: {  	v2 =	vadd.s32 v1, v2;
	_ =	sdelay $0x4  }
0x5b: {  	[tilespmem:s29], [sflag:$0x5] =	stream.indirect_vreg.gather [hbm4b:s1+s3], $0x80, v2, vm0, $0xb8;
	[tilespmem:$0x10400] =	vst v63  }
0x5c: {  	_ = 	snop  }
0x5d: {  	[tilespmem:s30], [sflag:$0x5] =	stream.indirect_vreg.gather [hbm4b:s5+s3], $0x80, v2, vm0, $0xb8;
	[tilespmem:$0x10400] =	vst v63  }
0x5e: {  	s22 =	simm.s32 $0x9400  }
0x5f: {  	[tilespmem:s22], [sflag:$0x5] =	stream.indirect_vreg.gather [hbm4b:s6+s3], $0x80, v2, vm0, $0xb8;
	[tilespmem:$0x10400] =	vst v63  }
0x60: {  	s24 =	simm.s32 $0x9C00  }
0x61: {  	[tilespmem:s24], [sflag:$0x5] =	stream.indirect_vreg.gather [hbm4b:s7+s3], $0x80, v2, vm0, $0xb8;
	[tilespmem:$0x10400] =	vst v63  }
0x62: {  	v2 =	vld.msk [tilespmem:$0x28], $0xff;
	_ =	sdelay $0x4  }
0x63: {  	v3 =	vshll.u32 v2, $0x3  }
0x64: {  	v2 =	vand.u32 $0x7, v2;
	v3 =	vand.u32 $0xFFFFFFC0, v3  }
0x65: {  	v2 =	vor.u32 v2, v3  }
0x66: {  	v2 =	vperm.xlane v2, v0;
	_ =	sdelay $0x1  }
0x67: {  	v2 =	vadd.s32 v1, v2;
	_ =	sdelay $0x4  }
0x68: {  	[tilespmem:s0], [sflag:$0x6] =	stream.indirect_vreg.gather [hbm4b:s1+s3], $0x80, v2, vm0, $0xb8;
	[tilespmem:$0x10400] =	vst v63  }
0x69: {  	_ = 	snop  }
0x6a: {  	[tilespmem:s2], [sflag:$0x6] =	stream.indirect_vreg.gather [hbm4b:s5+s3], $0x80, v2, vm0, $0xb8;
	[tilespmem:$0x10400] =	vst v63  }
0x6b: {  	s25 =	simm.s32 $0xB400  }
0x6c: {  	[tilespmem:s25], [sflag:$0x6] =	stream.indirect_vreg.gather [hbm4b:s6+s3], $0x80, v2, vm0, $0xb8;
	[tilespmem:$0x10400] =	vst v63  }
0x6d: {  	s26 =	simm.s32 $0xBC00  }
0x6e: {  	[tilespmem:s26], [sflag:$0x6] =	stream.indirect_vreg.gather [hbm4b:s7+s3], $0x80, v2, vm0, $0xb8;
	[tilespmem:$0x10400] =	vst v63  }
0x6f: {  	v2 =	vld.msk [tilespmem:$0x30], $0xff;
	_ =	sdelay $0x4  }
0x70: {  	v3 =	vshll.u32 v2, $0x3  }
0x71: {  	v2 =	vand.u32 $0x7, v2;
	v3 =	vand.u32 $0xFFFFFFC0, v3  }
0x72: {  	v2 =	vor.u32 v2, v3  }
0x73: {  	v2 =	vperm.xlane v2, v0;
	_ =	sdelay $0x1  }
0x74: {  	v2 =	vadd.s32 v1, v2;
	_ =	sdelay $0x4  }
0x75: {  	[tilespmem:s4], [sflag:$0x7] =	stream.indirect_vreg.gather [hbm4b:s1+s3], $0x80, v2, vm0, $0xb8;
	[tilespmem:$0x10400] =	vst v63  }
0x76: {  	_ = 	snop  }
0x77: {  	[tilespmem:s9], [sflag:$0x7] =	stream.indirect_vreg.gather [hbm4b:s5+s3], $0x80, v2, vm0, $0xb8;
	[tilespmem:$0x10400] =	vst v63  }
0x78: {  	s28 =	simm.s32 $0xD400  }
0x79: {  	[tilespmem:s28], [sflag:$0x7] =	stream.indirect_vreg.gather [hbm4b:s6+s3], $0x80, v2, vm0, $0xb8;
	[tilespmem:$0x10400] =	vst v63  }
0x7a: {  	s29 =	simm.s32 $0xDC00  }
0x7b: {  	[tilespmem:s29], [sflag:$0x7] =	stream.indirect_vreg.gather [hbm4b:s7+s3], $0x80, v2, vm0, $0xb8;
	[tilespmem:$0x10400] =	vst v63  }
0x7c: {  	v2 =	vld.msk [tilespmem:$0x38], $0xff;
	_ =	sdelay $0x4  }
0x7d: {  	v3 =	vshll.u32 v2, $0x3  }
0x7e: {  	v2 =	vand.u32 $0x7, v2;
	v3 =	vand.u32 $0xFFFFFFC0, v3  }
0x7f: {  	v2 =	vor.u32 v2, v3  }
0x80: {  	v2 =	vperm.xlane v2, v0;
	_ =	sdelay $0x1  }
0x81: {  	v2 =	vadd.s32 v1, v2;
	_ =	sdelay $0x4  }
0x82: {  	[tilespmem:s10], [sflag:$0x8] =	stream.indirect_vreg.gather [hbm4b:s1+s3], $0x80, v2, vm0, $0xb8;
	[tilespmem:$0x10400] =	vst v63  }
0x83: {  	_ = 	snop  }
0x84: {  	[tilespmem:s11], [sflag:$0x8] =	stream.indirect_vreg.gather [hbm4b:s5+s3], $0x80, v2, vm0, $0xb8;
	[tilespmem:$0x10400] =	vst v63  }
0x85: {  	s31 =	simm.s32 $0xFC00;
	s13 =	simm.s32 $0x1;
	s30 =	simm.s32 $0xF400  }
0x86: {  	[tilespmem:s30], [sflag:$0x8] =	stream.indirect_vreg.gather [hbm4b:s6+s3], $0x80, v2, vm0, $0xb8;
	[tilespmem:$0x10400] =	vst v63  }
0x87: {  	s14 =	simm.s32 $0x2;
	s24 =	simm.s32 $0x78;
	s25 =	simm.s32 $0x0  }
0x88: {  	[tilespmem:s31], [sflag:$0x8] =	stream.indirect_vreg.gather [hbm4b:s7+s3], $0x80, v2, vm0, $0xb8;
	[tilespmem:$0x10400] =	vst v63  }
.LBB2_2:
0x89: {  	_ =	swait.ge [sflag:s13], $0x2000  }
0x8a: {  	s18 =	rddreg [dreg:$0x4];
	[sflag:s13] =	ssyncset.done $0x0  }
0x8b: {  	s26 =	simm.s32 $0x400;
	[sflag:s13] =	ssyncadd.s32 $0xFFFFE000;
	s18 =	sadd.s32 s25, s18  }
0x8c: {  	[hbm4b:s18+s3] =	stream.linear.scatter [tilespmem:s26], [sflag:$0x9], $0x2000, $0x38;
	[tilespmem:$0x10400] =	vst v63  }
0x8d: {  	_ =	swait.ge [sflag:s14], $0x2000  }
0x8e: {  	[sflag:s14] =	ssyncset.done $0x0  }
0x8f: {  	s31 =	simm.s32 $0x2400;
	s22 =	sadd.s32 $0x400, s18;
	[sflag:s14] =	ssyncadd.s32 $0xFFFFE000  }
0x90: {  	[hbm4b:s22+s3] =	stream.linear.scatter [tilespmem:s31], [sflag:$0xA], $0x2000, $0x38;
	[tilespmem:$0x10400] =	vst v63  }
0x91: {  	_ =	swait.ge [sflag:s15], $0x2000  }
0x92: {  	[sflag:s15] =	ssyncset.done $0x0  }
0x93: {  	s16 =	simm.s32 $0x4400;
	s4 =	sadd.s32 $0x800, s18;
	[sflag:s15] =	ssyncadd.s32 $0xFFFFE000  }
0x94: {  	[hbm4b:s4+s3] =	stream.linear.scatter [tilespmem:s16], [sflag:$0xB], $0x2000, $0x38;
	[tilespmem:$0x10400] =	vst v63  }
0x95: {  	_ =	swait.ge [sflag:s17], $0x2000  }
0x96: {  	[sflag:s17] =	ssyncset.done $0x0  }
0x97: {  	s28 =	simm.s32 $0x6400;
	s8 =	sadd.s32 $0xC00, s18;
	[sflag:s17] =	ssyncadd.s32 $0xFFFFE000  }
0x98: {  	[hbm4b:s8+s3] =	stream.linear.scatter [tilespmem:s28], [sflag:$0xC], $0x2000, $0x38;
	[tilespmem:$0x10400] =	vst v63  }
0x99: {  	_ =	swait.ge [sflag:s19], $0x2000  }
0x9a: {  	[sflag:s19] =	ssyncset.done $0x0  }
0x9b: {  	s30 =	simm.s32 $0x8400;
	s9 =	sadd.s32 $0x1000, s18;
	[sflag:s19] =	ssyncadd.s32 $0xFFFFE000  }
0x9c: {  	[hbm4b:s9+s3] =	stream.linear.scatter [tilespmem:s30], [sflag:$0xD], $0x2000, $0x38;
	[tilespmem:$0x10400] =	vst v63  }
0x9d: {  	_ =	swait.ge [sflag:s20], $0x2000  }
0x9e: {  	[sflag:s20] =	ssyncset.done $0x0  }
0x9f: {  	s2 =	simm.s32 $0xA400;
	s10 =	sadd.s32 $0x1400, s18;
	[sflag:s20] =	ssyncadd.s32 $0xFFFFE000  }
0xa0: {  	[hbm4b:s10+s3] =	stream.linear.scatter [tilespmem:s2], [sflag:$0xE], $0x2000, $0x38;
	[tilespmem:$0x10400] =	vst v63  }
0xa1: {  	_ =	swait.ge [sflag:s23], $0x2000  }
0xa2: {  	s0 =	simm.s32 $0x8;
	[sflag:s23] =	ssyncset.done $0x0  }
0xa3: {  	s11 =	sadd.s32 $0x1800, s18;
	s9 =	simm.s32 $0xC400;
	[sflag:s23] =	ssyncadd.s32 $0xFFFFE000  }
0xa4: {  	[hbm4b:s11+s3] =	stream.linear.scatter [tilespmem:s9], [sflag:$0xF], $0x2000, $0x38;
	[tilespmem:$0x10400] =	vst v63  }
0xa5: {  	_ =	swait.ge [sflag:s0], $0x2000  }
0xa6: {  	s12 =	simm.s32 $0x9;
	[sflag:s0] =	ssyncset.done $0x0  }
0xa7: {  	s18 =	sadd.s32 $0x1C00, s18;
	s11 =	simm.s32 $0xE400;
	[sflag:s0] =	ssyncadd.s32 $0xFFFFE000  }
0xa8: {  	[hbm4b:s18+s3] =	stream.linear.scatter [tilespmem:s11], [sflag:$0x10], $0x2000, $0x38;
	[tilespmem:$0x10400] =	vst v63  }
0xa9: {  	_ =	swait.ge [sflag:s12], $0x2000  }
0xaa: {  	[sflag:s12] =	ssyncset.done $0x0  }
0xab: {  	[sflag:s12] =	ssyncadd.s32 $0xFFFFE000  }
0xac: {  	v2 =	vld.msk [tilespmem:s24+$0xFFFFFFC8], $0xff;
	_ =	sdelay $0x4  }
0xad: {  	v3 =	vshll.u32 v2, $0x3  }
0xae: {  	v2 =	vand.u32 $0x7, v2;
	v3 =	vand.u32 $0xFFFFFFC0, v3  }
0xaf: {  	v2 =	vor.u32 v2, v3  }
0xb0: {  	v2 =	vperm.xlane v2, v0;
	_ =	sdelay $0x1  }
0xb1: {  	v2 =	vadd.s32 v1, v2;
	_ =	sdelay $0x4  }
0xb2: {  	[tilespmem:s26], [sflag:$0x1] =	stream.indirect_vreg.gather [hbm4b:s1+s3], $0x80, v2, vm0, $0xb8;
	[tilespmem:$0x10400] =	vst v63  }
0xb3: {  	s26 =	simm.s32 $0xC00  }
0xb4: {  	[tilespmem:s26], [sflag:$0x1] =	stream.indirect_vreg.gather [hbm4b:s5+s3], $0x80, v2, vm0, $0xb8;
	[tilespmem:$0x10400] =	vst v63  }
0xb5: {  	s18 =	simm.s32 $0x1400  }
0xb6: {  	[tilespmem:s18], [sflag:$0x1] =	stream.indirect_vreg.gather [hbm4b:s6+s3], $0x80, v2, vm0, $0xb8;
	[tilespmem:$0x10400] =	vst v63  }
0xb7: {  	s21 =	simm.s32 $0x1C00;
	s4 =	simm.s32 $0xA  }
0xb8: {  	[tilespmem:s21], [sflag:$0x1] =	stream.indirect_vreg.gather [hbm4b:s7+s3], $0x80, v2, vm0, $0xb8;
	[tilespmem:$0x10400] =	vst v63  }
0xb9: {  	_ =	swait.ge [sflag:s4], $0x2000  }
0xba: {  	[sflag:s4] =	ssyncset.done $0x0  }
0xbb: {  	[sflag:s4] =	ssyncadd.s32 $0xFFFFE000  }
0xbc: {  	v2 =	vld.msk [tilespmem:s24+$0xFFFFFFD0], $0xff;
	_ =	sdelay $0x4  }
0xbd: {  	v3 =	vshll.u32 v2, $0x3  }
0xbe: {  	v2 =	vand.u32 $0x7, v2;
	v3 =	vand.u32 $0xFFFFFFC0, v3  }
0xbf: {  	v2 =	vor.u32 v2, v3  }
0xc0: {  	v2 =	vperm.xlane v2, v0;
	_ =	sdelay $0x1  }
0xc1: {  	v2 =	vadd.s32 v1, v2;
	_ =	sdelay $0x4  }
0xc2: {  	[tilespmem:s31], [sflag:$0x2] =	stream.indirect_vreg.gather [hbm4b:s1+s3], $0x80, v2, vm0, $0xb8;
	[tilespmem:$0x10400] =	vst v63  }
0xc3: {  	s31 =	simm.s32 $0x2C00  }
0xc4: {  	[tilespmem:s31], [sflag:$0x2] =	stream.indirect_vreg.gather [hbm4b:s5+s3], $0x80, v2, vm0, $0xb8;
	[tilespmem:$0x10400] =	vst v63  }
0xc5: {  	s8 =	simm.s32 $0x3400  }
0xc6: {  	[tilespmem:s8], [sflag:$0x2] =	stream.indirect_vreg.gather [hbm4b:s6+s3], $0x80, v2, vm0, $0xb8;
	[tilespmem:$0x10400] =	vst v63  }
0xc7: {  	s10 =	simm.s32 $0x3C00;
	s18 =	simm.s32 $0xB  }
0xc8: {  	[tilespmem:s10], [sflag:$0x2] =	stream.indirect_vreg.gather [hbm4b:s7+s3], $0x80, v2, vm0, $0xb8;
	[tilespmem:$0x10400] =	vst v63  }
0xc9: {  	_ =	swait.ge [sflag:s18], $0x2000  }
0xca: {  	[sflag:s18] =	ssyncset.done $0x0  }
0xcb: {  	[sflag:s18] =	ssyncadd.s32 $0xFFFFE000  }
0xcc: {  	v2 =	vld.msk [tilespmem:s24+$0xFFFFFFD8], $0xff;
	_ =	sdelay $0x4  }
0xcd: {  	v3 =	vshll.u32 v2, $0x3  }
0xce: {  	v2 =	vand.u32 $0x7, v2;
	v3 =	vand.u32 $0xFFFFFFC0, v3  }
0xcf: {  	v2 =	vor.u32 v2, v3  }
0xd0: {  	v2 =	vperm.xlane v2, v0;
	_ =	sdelay $0x1  }
0xd1: {  	v2 =	vadd.s32 v1, v2;
	_ =	sdelay $0x4  }
0xd2: {  	[tilespmem:s16], [sflag:$0x3] =	stream.indirect_vreg.gather [hbm4b:s1+s3], $0x80, v2, vm0, $0xb8;
	[tilespmem:$0x10400] =	vst v63  }
0xd3: {  	s16 =	simm.s32 $0x4C00  }
0xd4: {  	[tilespmem:s16], [sflag:$0x3] =	stream.indirect_vreg.gather [hbm4b:s5+s3], $0x80, v2, vm0, $0xb8;
	[tilespmem:$0x10400] =	vst v63  }
0xd5: {  	s21 =	simm.s32 $0x5400  }
0xd6: {  	[tilespmem:s21], [sflag:$0x3] =	stream.indirect_vreg.gather [hbm4b:s6+s3], $0x80, v2, vm0, $0xb8;
	[tilespmem:$0x10400] =	vst v63  }
0xd7: {  	s4 =	simm.s32 $0x5C00;
	s10 =	simm.s32 $0xC  }
0xd8: {  	[tilespmem:s4], [sflag:$0x3] =	stream.indirect_vreg.gather [hbm4b:s7+s3], $0x80, v2, vm0, $0xb8;
	[tilespmem:$0x10400] =	vst v63  }
0xd9: {  	_ =	swait.ge [sflag:s10], $0x2000  }
0xda: {  	[sflag:s10] =	ssyncset.done $0x0  }
0xdb: {  	[sflag:s10] =	ssyncadd.s32 $0xFFFFE000  }
0xdc: {  	v2 =	vld.msk [tilespmem:s24+$0xFFFFFFE0], $0xff;
	_ =	sdelay $0x4  }
0xdd: {  	v3 =	vshll.u32 v2, $0x3  }
0xde: {  	v2 =	vand.u32 $0x7, v2;
	v3 =	vand.u32 $0xFFFFFFC0, v3  }
0xdf: {  	v2 =	vor.u32 v2, v3  }
0xe0: {  	v2 =	vperm.xlane v2, v0;
	_ =	sdelay $0x1  }
0xe1: {  	v2 =	vadd.s32 v1, v2;
	_ =	sdelay $0x4  }
0xe2: {  	[tilespmem:s28], [sflag:$0x4] =	stream.indirect_vreg.gather [hbm4b:s1+s3], $0x80, v2, vm0, $0xb8;
	[tilespmem:$0x10400] =	vst v63  }
0xe3: {  	s28 =	simm.s32 $0x6C00  }
0xe4: {  	[tilespmem:s28], [sflag:$0x4] =	stream.indirect_vreg.gather [hbm4b:s5+s3], $0x80, v2, vm0, $0xb8;
	[tilespmem:$0x10400] =	vst v63  }
0xe5: {  	s18 =	simm.s32 $0x7400  }
0xe6: {  	[tilespmem:s18], [sflag:$0x4] =	stream.indirect_vreg.gather [hbm4b:s6+s3], $0x80, v2, vm0, $0xb8;
	[tilespmem:$0x10400] =	vst v63  }
0xe7: {  	s4 =	simm.s32 $0x7C00;
	s10 =	simm.s32 $0xD  }
0xe8: {  	[tilespmem:s4], [sflag:$0x4] =	stream.indirect_vreg.gather [hbm4b:s7+s3], $0x80, v2, vm0, $0xb8;
	[tilespmem:$0x10400] =	vst v63  }
0xe9: {  	_ =	swait.ge [sflag:s10], $0x2000  }
0xea: {  	[sflag:s10] =	ssyncset.done $0x0  }
0xeb: {  	[sflag:s10] =	ssyncadd.s32 $0xFFFFE000  }
0xec: {  	v2 =	vld.msk [tilespmem:s24+$0xFFFFFFE8], $0xff;
	_ =	sdelay $0x4  }
0xed: {  	v3 =	vshll.u32 v2, $0x3  }
0xee: {  	v2 =	vand.u32 $0x7, v2;
	v3 =	vand.u32 $0xFFFFFFC0, v3  }
0xef: {  	v2 =	vor.u32 v2, v3  }
0xf0: {  	v2 =	vperm.xlane v2, v0;
	_ =	sdelay $0x1  }
0xf1: {  	v2 =	vadd.s32 v1, v2;
	_ =	sdelay $0x4  }
0xf2: {  	[tilespmem:s30], [sflag:$0x5] =	stream.indirect_vreg.gather [hbm4b:s1+s3], $0x80, v2, vm0, $0xb8;
	[tilespmem:$0x10400] =	vst v63  }
0xf3: {  	s30 =	simm.s32 $0x8C00  }
0xf4: {  	[tilespmem:s30], [sflag:$0x5] =	stream.indirect_vreg.gather [hbm4b:s5+s3], $0x80, v2, vm0, $0xb8;
	[tilespmem:$0x10400] =	vst v63  }
0xf5: {  	s18 =	simm.s32 $0x9400  }
0xf6: {  	[tilespmem:s18], [sflag:$0x5] =	stream.indirect_vreg.gather [hbm4b:s6+s3], $0x80, v2, vm0, $0xb8;
	[tilespmem:$0x10400] =	vst v63  }
0xf7: {  	s4 =	simm.s32 $0x9C00;
	s10 =	simm.s32 $0xE  }
0xf8: {  	[tilespmem:s4], [sflag:$0x5] =	stream.indirect_vreg.gather [hbm4b:s7+s3], $0x80, v2, vm0, $0xb8;
	[tilespmem:$0x10400] =	vst v63  }
0xf9: {  	_ =	swait.ge [sflag:s10], $0x2000  }
0xfa: {  	[sflag:s10] =	ssyncset.done $0x0  }
0xfb: {  	[sflag:s10] =	ssyncadd.s32 $0xFFFFE000  }
0xfc: {  	v2 =	vld.msk [tilespmem:s24+$0xFFFFFFF0], $0xff;
	_ =	sdelay $0x4  }
0xfd: {  	v3 =	vshll.u32 v2, $0x3  }
0xfe: {  	v2 =	vand.u32 $0x7, v2;
	v3 =	vand.u32 $0xFFFFFFC0, v3  }
0xff: {  	v2 =	vor.u32 v2, v3  }
0x100: {  	v2 =	vperm.xlane v2, v0;
	_ =	sdelay $0x1  }
0x101: {  	v2 =	vadd.s32 v1, v2;
	_ =	sdelay $0x4  }
0x102: {  	[tilespmem:s2], [sflag:$0x6] =	stream.indirect_vreg.gather [hbm4b:s1+s3], $0x80, v2, vm0, $0xb8;
	[tilespmem:$0x10400] =	vst v63  }
0x103: {  	s2 =	simm.s32 $0xAC00  }
0x104: {  	[tilespmem:s2], [sflag:$0x6] =	stream.indirect_vreg.gather [hbm4b:s5+s3], $0x80, v2, vm0, $0xb8;
	[tilespmem:$0x10400] =	vst v63  }
0x105: {  	s4 =	simm.s32 $0xB400  }
0x106: {  	[tilespmem:s4], [sflag:$0x6] =	stream.indirect_vreg.gather [hbm4b:s6+s3], $0x80, v2, vm0, $0xb8;
	[tilespmem:$0x10400] =	vst v63  }
0x107: {  	s18 =	simm.s32 $0xBC00;
	s10 =	simm.s32 $0xF  }
0x108: {  	[tilespmem:s18], [sflag:$0x6] =	stream.indirect_vreg.gather [hbm4b:s7+s3], $0x80, v2, vm0, $0xb8;
	[tilespmem:$0x10400] =	vst v63  }
0x109: {  	_ =	swait.ge [sflag:s10], $0x2000  }
0x10a: {  	[sflag:s10] =	ssyncset.done $0x0  }
0x10b: {  	[sflag:s10] =	ssyncadd.s32 $0xFFFFE000  }
0x10c: {  	v2 =	vld.msk [tilespmem:s24+$0xFFFFFFF8], $0xff;
	_ =	sdelay $0x4  }
0x10d: {  	v3 =	vshll.u32 v2, $0x3  }
0x10e: {  	v2 =	vand.u32 $0x7, v2;
	v3 =	vand.u32 $0xFFFFFFC0, v3  }
0x10f: {  	v2 =	vor.u32 v2, v3  }
0x110: {  	v2 =	vperm.xlane v2, v0;
	_ =	sdelay $0x1  }
0x111: {  	v2 =	vadd.s32 v1, v2;
	_ =	sdelay $0x4  }
0x112: {  	[tilespmem:s9], [sflag:$0x7] =	stream.indirect_vreg.gather [hbm4b:s1+s3], $0x80, v2, vm0, $0xb8;
	[tilespmem:$0x10400] =	vst v63  }
0x113: {  	s9 =	simm.s32 $0xCC00  }
0x114: {  	[tilespmem:s9], [sflag:$0x7] =	stream.indirect_vreg.gather [hbm4b:s5+s3], $0x80, v2, vm0, $0xb8;
	[tilespmem:$0x10400] =	vst v63  }
0x115: {  	s10 =	simm.s32 $0xD400  }
0x116: {  	[tilespmem:s10], [sflag:$0x7] =	stream.indirect_vreg.gather [hbm4b:s6+s3], $0x80, v2, vm0, $0xb8;
	[tilespmem:$0x10400] =	vst v63  }
0x117: {  	s18 =	simm.s32 $0xDC00  }
0x118: {  	[tilespmem:s18], [sflag:$0x7] =	stream.indirect_vreg.gather [hbm4b:s7+s3], $0x80, v2, vm0, $0xb8;
	[tilespmem:$0x10400] =	vst v63  }
0x119: {  	s18 =	simm.s32 $0x10  }
0x11a: {  	_ =	swait.ge [sflag:s18], $0x2000  }
0x11b: {  	[sflag:s18] =	ssyncset.done $0x0  }
0x11c: {  	[sflag:s18] =	ssyncadd.s32 $0xFFFFE000  }
0x11d: {  	v2 =	vld.msk [tilespmem:s24+$0x0], $0xff;
	_ =	sdelay $0x4  }
0x11e: {  	v3 =	vshll.u32 v2, $0x3  }
0x11f: {  	v2 =	vand.u32 $0x7, v2;
	v3 =	vand.u32 $0xFFFFFFC0, v3  }
0x120: {  	v2 =	vor.u32 v2, v3  }
0x121: {  	v2 =	vperm.xlane v2, v0;
	_ =	sdelay $0x1  }
0x122: {  	v2 =	vadd.s32 v1, v2;
	_ =	sdelay $0x3  }
0x123: {  	s29 =	simm.s32 $0x8400;
	p0 =	sne.s32 s25, $0x1C000;
	s25 =	sadd.s32 $0x2000, s25  }
0x124: {  	[tilespmem:s11], [sflag:$0x8] =	stream.indirect_vreg.gather [hbm4b:s1+s3], $0x80, v2, vm0, $0xb8;
	[tilespmem:$0x10400] =	vst v63  }
0x125: {  	s22 =	simm.s32 $0x400;
	s0 =	simm.s32 $0xA400;
	s11 =	simm.s32 $0xEC00  }
0x126: {  	[tilespmem:s11], [sflag:$0x8] =	stream.indirect_vreg.gather [hbm4b:s5+s3], $0x80, v2, vm0, $0xb8;
	[tilespmem:$0x10400] =	vst v63  }
.Ltmp0:
0x127: {  	s12 =	simm.s32 $0x2400;
	s8 =	simm.s32 $0x4400;
	(pc) =	sbr.rel @p0 .LBB2_2-.Ltmp0, $4  }
0x128: {  	s21 =	simm.s32 $0x6400;
	s4 =	simm.s32 $0xC400;
	s18 =	simm.s32 $0xF400  }
0x129: {  	[tilespmem:s18], [sflag:$0x8] =	stream.indirect_vreg.gather [hbm4b:s6+s3], $0x80, v2, vm0, $0xb8;
	[tilespmem:$0x10400] =	vst v63  }
0x12a: {  	s10 =	simm.s32 $0xE400;
	s24 =	sadd.s32 $0x40, s24;
	s18 =	simm.s32 $0xFC00  }
0x12b: {  	[tilespmem:s18], [sflag:$0x8] =	stream.indirect_vreg.gather [hbm4b:s7+s3], $0x80, v2, vm0, $0xb8;
	[tilespmem:$0x10400] =	vst v63  }
0x12c: {  	_ =	swait.ge [sflag:s13], $0x2000  }
0x12d: {  	[sflag:s13] =	ssyncset.done $0x0  }
0x12e: {  	s18 =	rddreg [dreg:$0x6];
	[sflag:s13] =	ssyncadd.s32 $0xFFFFE000  }
0x12f: {  	[hbm4b:s18+s3] =	stream.linear.scatter [tilespmem:s22], [sflag:$0x9], $0x2000, $0x38;
	[tilespmem:$0x10400] =	vst v63  }
0x130: {  	_ =	swait.ge [sflag:s14], $0x2000  }
0x131: {  	[sflag:s14] =	ssyncset.done $0x0  }
0x132: {  	s13 =	rddreg [dreg:$0x7];
	[sflag:s14] =	ssyncadd.s32 $0xFFFFE000  }
0x133: {  	[hbm4b:s13+s3] =	stream.linear.scatter [tilespmem:s12], [sflag:$0xA], $0x2000, $0x38;
	[tilespmem:$0x10400] =	vst v63  }
0x134: {  	_ =	swait.ge [sflag:s15], $0x2000  }
0x135: {  	[sflag:s15] =	ssyncset.done $0x0  }
0x136: {  	s14 =	rddreg [dreg:$0x8];
	[sflag:s15] =	ssyncadd.s32 $0xFFFFE000  }
0x137: {  	[hbm4b:s14+s3] =	stream.linear.scatter [tilespmem:s8], [sflag:$0xB], $0x2000, $0x38;
	[tilespmem:$0x10400] =	vst v63  }
0x138: {  	_ =	swait.ge [sflag:s17], $0x2000  }
0x139: {  	[sflag:s17] =	ssyncset.done $0x0  }
0x13a: {  	s24 =	rddreg [dreg:$0x9];
	[sflag:s17] =	ssyncadd.s32 $0xFFFFE000  }
0x13b: {  	[hbm4b:s24+s3] =	stream.linear.scatter [tilespmem:s21], [sflag:$0xC], $0x2000, $0x38;
	[tilespmem:$0x10400] =	vst v63  }
0x13c: {  	_ =	swait.ge [sflag:s19], $0x2000  }
0x13d: {  	[sflag:s19] =	ssyncset.done $0x0  }
0x13e: {  	s25 =	rddreg [dreg:$0xa];
	[sflag:s19] =	ssyncadd.s32 $0xFFFFE000  }
0x13f: {  	[hbm4b:s25+s3] =	stream.linear.scatter [tilespmem:s29], [sflag:$0xD], $0x2000, $0x38;
	[tilespmem:$0x10400] =	vst v63  }
0x140: {  	_ =	swait.ge [sflag:s20], $0x2000  }
0x141: {  	[sflag:s20] =	ssyncset.done $0x0  }
0x142: {  	s13 =	rddreg [dreg:$0xb];
	[sflag:s20] =	ssyncadd.s32 $0xFFFFE000  }
0x143: {  	[hbm4b:s13+s3] =	stream.linear.scatter [tilespmem:s0], [sflag:$0xE], $0x2000, $0x38;
	[tilespmem:$0x10400] =	vst v63  }
0x144: {  	_ =	swait.ge [sflag:s23], $0x2000  }
0x145: {  	[sflag:s23] =	ssyncset.done $0x0  }
0x146: {  	s18 =	simm.s32 $0x8;
	s14 =	rddreg [dreg:$0xc];
	[sflag:s23] =	ssyncadd.s32 $0xFFFFE000  }
0x147: {  	[hbm4b:s14+s3] =	stream.linear.scatter [tilespmem:s4], [sflag:$0xF], $0x2000, $0x38;
	[tilespmem:$0x10400] =	vst v63  }
0x148: {  	_ =	swait.ge [sflag:s18], $0x2000  }
0x149: {  	[sflag:s18] =	ssyncset.done $0x0  }
0x14a: {  	s25 =	simm.s32 $0x9;
	s24 =	rddreg [dreg:$0xd];
	[sflag:s18] =	ssyncadd.s32 $0xFFFFE000  }
0x14b: {  	[hbm4b:s24+s3] =	stream.linear.scatter [tilespmem:s10], [sflag:$0x10], $0x2000, $0x38;
	[tilespmem:$0x10400] =	vst v63  }
0x14c: {  	_ =	swait.ge [sflag:s25], $0x2000  }
0x14d: {  	[sflag:s25] =	ssyncset.done $0x0  }
0x14e: {  	s14 =	simm.s32 $0xA;
	[sflag:s25] =	ssyncadd.s32 $0xFFFFE000  }
0x14f: {  	_ =	swait.ge [sflag:s14], $0x2000  }
0x150: {  	[sflag:s14] =	ssyncset.done $0x0  }
0x151: {  	s18 =	simm.s32 $0xB;
	[sflag:s14] =	ssyncadd.s32 $0xFFFFE000  }
0x152: {  	_ =	swait.ge [sflag:s18], $0x2000  }
0x153: {  	[sflag:s18] =	ssyncset.done $0x0  }
0x154: {  	s24 =	simm.s32 $0xC;
	[sflag:s18] =	ssyncadd.s32 $0xFFFFE000  }
0x155: {  	_ =	swait.ge [sflag:s24], $0x2000  }
0x156: {  	[sflag:s24] =	ssyncset.done $0x0  }
0x157: {  	s25 =	simm.s32 $0xD;
	[sflag:s24] =	ssyncadd.s32 $0xFFFFE000  }
0x158: {  	_ =	swait.ge [sflag:s25], $0x2000  }
0x159: {  	[sflag:s25] =	ssyncset.done $0x0  }
0x15a: {  	s14 =	simm.s32 $0xE;
	[sflag:s25] =	ssyncadd.s32 $0xFFFFE000  }
0x15b: {  	_ =	swait.ge [sflag:s14], $0x2000  }
0x15c: {  	[sflag:s14] =	ssyncset.done $0x0  }
0x15d: {  	s18 =	simm.s32 $0xF;
	[sflag:s14] =	ssyncadd.s32 $0xFFFFE000  }
0x15e: {  	_ =	swait.ge [sflag:s18], $0x2000  }
0x15f: {  	[sflag:s18] =	ssyncset.done $0x0  }
0x160: {  	s14 =	simm.s32 $0x10;
	[sflag:s18] =	ssyncadd.s32 $0xFFFFE000  }
0x161: {  	_ =	swait.ge [sflag:s14], $0x2000  }
0x162: {  	s24 =	rddreg [dreg:$0xf]  }
0x163: {  	s25 =	rddreg [dreg:$0xe];
	s13 =	sadd.s32 $0x1, s24  }
0x164: {  	p0 =	sne.s32 s13, s25  }
.Ltmp1:
0x165: {  	_ = 	snop;
	(pc) =	sbr.rel @p0 .LBB2_1-.Ltmp1, $4  }
0x166: {  	_ = 	snop  }
0x167: {  	[sflag:s14] =	ssyncset.done $0x0  }
0x168: {  	[sflag:s14] =	ssyncadd.s32 $0xFFFFE000  }
0x169: {  	s24 =	simm.s32 $0x1400;
	s14 =	simm.s32 $0x3400;
	s25 =	simm.s32 $0x1C00  }
0x16a: {  	_ =	sfence.sel $0x180000  }
0x16b: {  	[bflag:$0x0] =	sbarrier.arrive $0xFFFF  }
0x16c: {  	_ =	strace $0x90000047  }
0x16d: {  	s0 =	stileid.u32;
	[bflag:$0x2] =	sbarrier.arrive $0xFFFF  }
0x16e: {  	p0 =	sne.s32 s0, $0x0;
	s0 =	rddreg [dreg:$0x3]  }
0x16f: {  	s0 =	sadd.s32 @!p0 $0x100000, s0  }
0x170: {  	[sflag:s0] =	ssyncadd.tile.s32 @!p0 $0x1;
	_ =	shalt  }
.Lfunc_end2:
_tile_overlayer_lowered:
.L_overlay_start_2:
0x171: {  	(tag) =	ssettag $0x2  }
0x172: {  	s0 =	rddreg [dreg:$0x0];
	s2 =	stileid.u32  }
0x173: {  	s1 =	rddreg [dreg:$0x1];
	p0 =	sne.s32 s2, $0x0  }
0x174: {  	s3 =	rddreg [dreg:$0x2];
	[bflag:$0x3] =	sbarrier.arrive $0xFFFF;
	s2 =	simm.s32 @!p0 $0x1C11  }
0x175: {  	[timem:s3], [sflag:s2] =	dma.local @!p0 [hbm:s0], s1  }
0x176: {  	s0 =	simm.s32 @!p0 $0x11  }
0x177: {  	_ =	swait.ge @!p0 [sflag:s0], s1  }
0x178: {  	s1 =	ssub.s32 @!p0 $0x0, s1;
	[sflag:s0] =	ssyncset.done @!p0 $0x0  }
0x179: {  	[sflag:s0] =	ssyncadd.s32 @!p0 s1  }
0x17a: {  	[bflag:$0x3] =	sbarrier.arrive $0xFFFF  }
0x17b: {  	_ =	shalt  }

</sc_bundles>
